<compile_context>
chip_gen: v7x
topology: tpu7x:2x2x1
jax: 0.10.2.dev20260603
libtpu: 0.0.44.dev20260713+nightly
codegen_flags: <defaults>
</compile_context>

<pallas_src>
import functools

import jax
import jax.numpy as jnp
from jax import lax
from jax.experimental import pallas as pl
from jax.experimental.pallas import tpu as pltpu
from jax.experimental.pallas import tpu_sc as plsc


def _gather_rows(table, token_ids, offset, ntok, d):
    info = plsc.get_sparse_core_info()
    nw = info.num_cores * info.num_subcores
    b_per_w = ntok // nw
    chunk = 64 if b_per_w % 64 == 0 else 32
    nchunks = b_per_w // chunk

    mesh = plsc.VectorSubcoreMesh(core_axis_name="c", subcore_axis_name="s")

    @functools.partial(
        pl.kernel,
        mesh=mesh,
        out_type=jax.ShapeDtypeStruct((ntok, d), jnp.float32),
        scratch_types=[
            pltpu.VMEM((b_per_w,), jnp.int32),
            pltpu.VMEM((chunk, d), jnp.float32),
            pltpu.VMEM((chunk, d), jnp.float32),
            pltpu.SemaphoreType.DMA,
            pltpu.SemaphoreType.DMA,
        ],
    )
    def gather_kernel(table_hbm, ids_hbm, out_hbm, idx_v, rows0, rows1, sem0, sem1):
        wid = lax.axis_index("s") * info.num_cores + lax.axis_index("c")
        base = wid * b_per_w
        pltpu.sync_copy(ids_hbm.at[pl.ds(offset + base, b_per_w)], idx_v)
        bufs = (rows0, rows1)
        sems = (sem0, sem1)
        copies = [None] * nchunks
        copies[0] = pltpu.async_copy(
            table_hbm.at[idx_v.at[pl.ds(0, chunk)]], bufs[0], sems[0])
        for c in range(nchunks):
            if c + 1 < nchunks:
                copies[c + 1] = pltpu.async_copy(
                    table_hbm.at[idx_v.at[pl.ds((c + 1) * chunk, chunk)]],
                    bufs[(c + 1) % 2], sems[(c + 1) % 2])
            copies[c].wait()
            pltpu.sync_copy(bufs[c % 2], out_hbm.at[pl.ds(base + c * chunk, chunk)])

    return gather_kernel(table, token_ids)


def _transform_pool(emb, cu_seqlens, Wbf, b2, acc_in, offset, nseq, d, blk,
                    finalize):
    ntok = emb.shape[0]
    nblocks = ntok // blk

    def body(cu_ref, emb_ref, w_ref, b_ref, acc_ref, out_ref):
        i = pl.program_id(0)
        h = jnp.tanh(
            jnp.dot(emb_ref[...].astype(jnp.bfloat16), w_ref[...],
                    preferred_element_type=jnp.float32)
            + b_ref[...]
        )
        tok = jax.lax.broadcasted_iota(jnp.int32, (nseq, blk), 1) + offset + i * blk
        starts = jnp.concatenate(
            [jnp.full((1, blk), cu_ref[s], jnp.int32) for s in range(nseq)], axis=0)
        ends = jnp.concatenate(
            [jnp.full((1, blk), cu_ref[s + 1], jnp.int32) for s in range(nseq)], axis=0)
        onehot = ((tok >= starts) & (tok < ends)).astype(jnp.bfloat16)
        partial = jnp.dot(onehot, h.astype(jnp.bfloat16),
                          preferred_element_type=jnp.float32)

        @pl.when(i == 0)
        def _init():
            out_ref[...] = acc_ref[...] + partial

        @pl.when(i > 0)
        def _acc():
            out_ref[...] += partial

        if finalize:
            @pl.when(i == nblocks - 1)
            def _finish():
                counts = jnp.concatenate(
                    [jnp.full((1, 1), cu_ref[s + 1] - cu_ref[s], jnp.int32)
                     for s in range(nseq)], axis=0)
                denom = jnp.maximum(counts.astype(jnp.float32), 1.0)
                out_ref[...] = out_ref[...] / denom

    return pl.pallas_call(
        body,
        grid=(nblocks,),
        in_specs=[
            pl.BlockSpec(memory_space=pltpu.SMEM),
            pl.BlockSpec((blk, d), lambda i: (i, 0)),
            pl.BlockSpec((d, d), lambda i: (0, 0)),
            pl.BlockSpec((1, d), lambda i: (0, 0)),
            pl.BlockSpec((nseq, d), lambda i: (0, 0)),
        ],
        out_specs=pl.BlockSpec((nseq, d), lambda i: (0, 0)),
        out_shape=jax.ShapeDtypeStruct((nseq, d), jnp.float32),
    )(cu_seqlens, emb, Wbf, b2, acc_in)


def kernel(token_ids, cu_seqlens, table, W, b):
    total = token_ids.shape[0]
    d = table.shape[1]
    nseq = cu_seqlens.shape[0] - 1
    b2 = b.reshape(1, d)
    Wbf = W.astype(jnp.bfloat16)

    splits = [(0, 5120), (5120, 3072)]
    embs = [
        _gather_rows(table, token_ids, off, n, d)
        for off, n in splits
    ]
    acc = jnp.zeros((nseq, d), jnp.float32)
    for s, (off, n) in enumerate(splits):
        acc = _transform_pool(embs[s], cu_seqlens, Wbf, b2, acc, offset=off,
                              nseq=nseq, d=d, blk=n // 2,
                              finalize=(s == len(splits) - 1))
    return acc

# --- scband reference (transcript-rebuilt; emitter-appended) ---
"""Pipeline reference for scband-embeddings-layer-57028575756670 (READ-ONLY COPY).

The authoritative reference and input builder live on the scoring server;
editing this copy changes nothing except your own understanding.
"""

import jax, jax.numpy as jnp
import numpy as np

VOCAB = 100000
D = 512
B = 8
TOTAL = 8192  # batch * max_seqlen / 2 per RAGGED pool


def setup_inputs(seed: int = 0) -> dict:
    key = jax.random.key(seed)
    k1, k2, k3, k4 = jax.random.split(key, 4)
    token_ids = jax.random.randint(k1, (TOTAL,), 0, VOCAB, dtype=jnp.int32)
    inner = jnp.sort(jax.random.randint(k2, (B - 1,), 0, TOTAL, dtype=jnp.int32))
    cu_seqlens = jnp.concatenate([
        jnp.zeros((1,), jnp.int32), inner, jnp.full((1,), TOTAL, jnp.int32)
    ])
    table = jax.random.normal(k3, (VOCAB, D), dtype=jnp.float32) * 0.02
    W = jax.random.normal(k4, (D, D), dtype=jnp.float32) * (1.0 / np.sqrt(D))
    b = jnp.zeros((D,), dtype=jnp.float32)
    return {"token_ids": token_ids, "cu_seqlens": cu_seqlens, "table": table, "W": W, "b": b}


def reference(token_ids, cu_seqlens, table, W, b):
    total = token_ids.shape[0]
    nseq = cu_seqlens.shape[0] - 1
    # segment id for each flat token from the ragged offsets
    seg_ids = jnp.searchsorted(cu_seqlens, jnp.arange(total, dtype=jnp.int32), side="right") - 1
    seg_ids = jnp.clip(seg_ids, 0, nseq - 1)
    # per-token embedding gather (SparseCore gather)
    emb = jnp.take(table, token_ids, axis=0)
    # per-token dense transform (compute component -> ridge regime)
    h = jnp.tanh(emb @ W + b)
    # ragged mean-pool per sequence (SparseCore segment reduce)
    sums = jax.ops.segment_sum(h, seg_ids, num_segments=nseq)
    counts = jax.ops.segment_sum(jnp.ones((total,), jnp.float32), seg_ids, num_segments=nseq)
    pooled = sums / jnp.maximum(counts, 1.0)[:, None]
    return pooled

if __name__ == "__main__":
    import jax
    _d = setup_inputs()
    print(jax.jit(kernel)(*tuple(_d.values())))

</pallas_src>

<mosaic_0001>
#map = affine_map<(d0, d1) -> (0, 0)>
#map1 = affine_map<(d0, d1) -> (0)>
module attributes {stable_mosaic.version = 14 : i64} {
  func.func @gather_kernel(%arg0: i32, %arg1: i32, %arg2: memref<100000x512xf32, #tpu.memory_space<hbm>>, %arg3: memref<8192xi32, #tpu.memory_space<hbm>>, %arg4: memref<3072x512xf32, #tpu.memory_space<hbm>>, %arg5: memref<96xi32, #tpu.memory_space<vmem>>, %arg6: memref<32x512xf32, #tpu.memory_space<vmem>>, %arg7: memref<32x512xf32, #tpu.memory_space<vmem>>, %arg8: memref<!tpu.dma_semaphore, #tpu.memory_space<semaphore_mem>>, %arg9: memref<!tpu.dma_semaphore, #tpu.memory_space<semaphore_mem>>) attributes {dimension_semantics = [#tpu.dimension_semantics<core_parallel>, #tpu.dimension_semantics<subcore_parallel>], iteration_bounds = array<i64: 2, 16>, scalar_prefetch = 0 : i64, scratch_operands = 5 : i64, tpu.core_type = #tpu.core_type<sc_vector_subcore>, window_params = [{transform_indices = #map}, {transform_indices = #map1}, {transform_indices = #map}]} {
    %mul3A = arith.constant 2 : i32
    %mul3A_0 = arith.muli %arg1, %mul3A : i32
    %add3A = arith.addi %mul3A_0, %arg0 : i32
    %mul3A_1 = arith.constant 96 : i32
    %mul3A_2 = arith.muli %add3A, %mul3A_1 : i32
    %add3A_3 = arith.constant 5120 : i32
    %add3A_4 = arith.addi %add3A_3, %mul3A_2 : i32
    "tpu.region"() ({
      %run_scoped3A = tpu.sem_alloc : memref<!tpu.dma_semaphore, #tpu.memory_space<semaphore_mem>>
      %dma_start3A_39 = tpu.memref_slice %arg3[%add3A_4] : memref<8192xi32, #tpu.memory_space<hbm>> -> memref<96xi32, #tpu.memory_space<hbm>>
      %dma_start3A_40 = tpu.memref_slice %arg3[%add3A_4] : memref<8192xi32, #tpu.memory_space<hbm>> -> memref<96xi32, #tpu.memory_space<hbm>>
      tpu.enqueue_dma source(%dma_start3A_40 : memref<96xi32, #tpu.memory_space<hbm>>) target(%arg5 : memref<96xi32, #tpu.memory_space<vmem>>) target_semaphore(%run_scoped3A : memref<!tpu.dma_semaphore, #tpu.memory_space<semaphore_mem>>)
      %dma_wait3A_41 = tpu.memref_slice %arg3[%add3A_4] : memref<8192xi32, #tpu.memory_space<hbm>> -> memref<96xi32, #tpu.memory_space<hbm>>
      %dma_wait3A_42 = tpu.memref_slice %arg3[%add3A_4] : memref<8192xi32, #tpu.memory_space<hbm>> -> memref<96xi32, #tpu.memory_space<hbm>>
      tpu.wait_dma2 semaphore(%run_scoped3A : memref<!tpu.dma_semaphore, #tpu.memory_space<semaphore_mem>>) src(%dma_wait3A_42 : memref<96xi32, #tpu.memory_space<hbm>>) dst(%arg5 : memref<96xi32, #tpu.memory_space<vmem>>)
      tpu.yield
    }) : () -> ()
    %dma_start3A = arith.constant 0 : i32
    %dma_start3A_5 = tpu.memref_slice %arg5[%dma_start3A] : memref<96xi32, #tpu.memory_space<vmem>> -> memref<32xi32, #tpu.memory_space<vmem>>
    %dma_start3A_6 = arith.constant 0 : i32
    %dma_start3A_7 = arith.constant 0 : i32
    %dma_start3A_8 = tpu.memref_slice %arg2[%dma_start3A_6, %dma_start3A_7] : memref<100000x512xf32, #tpu.memory_space<hbm>> -> memref<100000x512xf32, #tpu.memory_space<hbm>>
    tpu.enqueue_indirect_dma source(%dma_start3A_8 : memref<100000x512xf32, #tpu.memory_space<hbm>>) target(%arg6 : memref<32x512xf32, #tpu.memory_space<vmem>>) offsets(%dma_start3A_5 : memref<32xi32, #tpu.memory_space<vmem>>) semaphore(%arg8 : memref<!tpu.dma_semaphore, #tpu.memory_space<semaphore_mem>>)
    %dma_start3A_9 = arith.constant 32 : i32
    %dma_start3A_10 = tpu.memref_slice %arg5[%dma_start3A_9] : memref<96xi32, #tpu.memory_space<vmem>> -> memref<32xi32, #tpu.memory_space<vmem>>
    %dma_start3A_11 = arith.constant 0 : i32
    %dma_start3A_12 = arith.constant 0 : i32
    %dma_start3A_13 = tpu.memref_slice %arg2[%dma_start3A_11, %dma_start3A_12] : memref<100000x512xf32, #tpu.memory_space<hbm>> -> memref<100000x512xf32, #tpu.memory_space<hbm>>
    tpu.enqueue_indirect_dma source(%dma_start3A_13 : memref<100000x512xf32, #tpu.memory_space<hbm>>) target(%arg7 : memref<32x512xf32, #tpu.memory_space<vmem>>) offsets(%dma_start3A_10 : memref<32xi32, #tpu.memory_space<vmem>>) semaphore(%arg9 : memref<!tpu.dma_semaphore, #tpu.memory_space<semaphore_mem>>)
    %dma_wait3A = arith.constant 0 : i32
    %dma_wait3A_14 = tpu.memref_slice %arg5[%dma_wait3A] : memref<96xi32, #tpu.memory_space<vmem>> -> memref<32xi32, #tpu.memory_space<vmem>>
    %dma_wait3A_15 = arith.constant 0 : i32
    %dma_wait3A_16 = arith.constant 0 : i32
    %dma_wait3A_17 = tpu.memref_slice %arg2[%dma_wait3A_15, %dma_wait3A_16] : memref<100000x512xf32, #tpu.memory_space<hbm>> -> memref<100000x512xf32, #tpu.memory_space<hbm>>
    tpu.wait_indirect_dma semaphore(%arg8 : memref<!tpu.dma_semaphore, #tpu.memory_space<semaphore_mem>>) src(%dma_wait3A_17 : memref<100000x512xf32, #tpu.memory_space<hbm>>) dst(%arg6 : memref<32x512xf32, #tpu.memory_space<vmem>>)
    %add3A_18 = arith.constant 0 : i32
    %add3A_19 = arith.addi %mul3A_2, %add3A_18 : i32
    "tpu.region"() ({
      %run_scoped3A = tpu.sem_alloc : memref<!tpu.dma_semaphore, #tpu.memory_space<semaphore_mem>>
      %dma_start3A_39 = arith.constant 0 : i32
      %dma_start3A_40 = tpu.memref_slice %arg4[%add3A_19, %dma_start3A_39] : memref<3072x512xf32, #tpu.memory_space<hbm>> -> memref<32x512xf32, #tpu.memory_space<hbm>>
      %dma_start3A_41 = arith.constant 0 : i32
      %dma_start3A_42 = tpu.memref_slice %arg4[%add3A_19, %dma_start3A_41] : memref<3072x512xf32, #tpu.memory_space<hbm>> -> memref<32x512xf32, #tpu.memory_space<hbm>>
      tpu.enqueue_dma source(%arg6 : memref<32x512xf32, #tpu.memory_space<vmem>>) target(%dma_start3A_42 : memref<32x512xf32, #tpu.memory_space<hbm>>) target_semaphore(%run_scoped3A : memref<!tpu.dma_semaphore, #tpu.memory_space<semaphore_mem>>)
      %dma_wait3A_43 = arith.constant 0 : i32
      %dma_wait3A_44 = tpu.memref_slice %arg4[%add3A_19, %dma_wait3A_43] : memref<3072x512xf32, #tpu.memory_space<hbm>> -> memref<32x512xf32, #tpu.memory_space<hbm>>
      %dma_wait3A_45 = arith.constant 0 : i32
      %dma_wait3A_46 = tpu.memref_slice %arg4[%add3A_19, %dma_wait3A_45] : memref<3072x512xf32, #tpu.memory_space<hbm>> -> memref<32x512xf32, #tpu.memory_space<hbm>>
      tpu.wait_dma2 semaphore(%run_scoped3A : memref<!tpu.dma_semaphore, #tpu.memory_space<semaphore_mem>>) src(%arg6 : memref<32x512xf32, #tpu.memory_space<vmem>>) dst(%dma_wait3A_46 : memref<32x512xf32, #tpu.memory_space<hbm>>)
      tpu.yield
    }) : () -> ()
    %dma_start3A_20 = arith.constant 64 : i32
    %dma_start3A_21 = tpu.memref_slice %arg5[%dma_start3A_20] : memref<96xi32, #tpu.memory_space<vmem>> -> memref<32xi32, #tpu.memory_space<vmem>>
    %dma_start3A_22 = arith.constant 0 : i32
    %dma_start3A_23 = arith.constant 0 : i32
    %dma_start3A_24 = tpu.memref_slice %arg2[%dma_start3A_22, %dma_start3A_23] : memref<100000x512xf32, #tpu.memory_space<hbm>> -> memref<100000x512xf32, #tpu.memory_space<hbm>>
    tpu.enqueue_indirect_dma source(%dma_start3A_24 : memref<100000x512xf32, #tpu.memory_space<hbm>>) target(%arg6 : memref<32x512xf32, #tpu.memory_space<vmem>>) offsets(%dma_start3A_21 : memref<32xi32, #tpu.memory_space<vmem>>) semaphore(%arg8 : memref<!tpu.dma_semaphore, #tpu.memory_space<semaphore_mem>>)
    %dma_wait3A_25 = arith.constant 32 : i32
    %dma_wait3A_26 = tpu.memref_slice %arg5[%dma_wait3A_25] : memref<96xi32, #tpu.memory_space<vmem>> -> memref<32xi32, #tpu.memory_space<vmem>>
    %dma_wait3A_27 = arith.constant 0 : i32
    %dma_wait3A_28 = arith.constant 0 : i32
    %dma_wait3A_29 = tpu.memref_slice %arg2[%dma_wait3A_27, %dma_wait3A_28] : memref<100000x512xf32, #tpu.memory_space<hbm>> -> memref<100000x512xf32, #tpu.memory_space<hbm>>
    tpu.wait_indirect_dma semaphore(%arg9 : memref<!tpu.dma_semaphore, #tpu.memory_space<semaphore_mem>>) src(%dma_wait3A_29 : memref<100000x512xf32, #tpu.memory_space<hbm>>) dst(%arg7 : memref<32x512xf32, #tpu.memory_space<vmem>>)
    %add3A_30 = arith.constant 32 : i32
    %add3A_31 = arith.addi %mul3A_2, %add3A_30 : i32
    "tpu.region"() ({
      %run_scoped3A = tpu.sem_alloc : memref<!tpu.dma_semaphore, #tpu.memory_space<semaphore_mem>>
      %dma_start3A_39 = arith.constant 0 : i32
      %dma_start3A_40 = tpu.memref_slice %arg4[%add3A_31, %dma_start3A_39] : memref<3072x512xf32, #tpu.memory_space<hbm>> -> memref<32x512xf32, #tpu.memory_space<hbm>>
      %dma_start3A_41 = arith.constant 0 : i32
      %dma_start3A_42 = tpu.memref_slice %arg4[%add3A_31, %dma_start3A_41] : memref<3072x512xf32, #tpu.memory_space<hbm>> -> memref<32x512xf32, #tpu.memory_space<hbm>>
      tpu.enqueue_dma source(%arg7 : memref<32x512xf32, #tpu.memory_space<vmem>>) target(%dma_start3A_42 : memref<32x512xf32, #tpu.memory_space<hbm>>) target_semaphore(%run_scoped3A : memref<!tpu.dma_semaphore, #tpu.memory_space<semaphore_mem>>)
      %dma_wait3A_43 = arith.constant 0 : i32
      %dma_wait3A_44 = tpu.memref_slice %arg4[%add3A_31, %dma_wait3A_43] : memref<3072x512xf32, #tpu.memory_space<hbm>> -> memref<32x512xf32, #tpu.memory_space<hbm>>
      %dma_wait3A_45 = arith.constant 0 : i32
      %dma_wait3A_46 = tpu.memref_slice %arg4[%add3A_31, %dma_wait3A_45] : memref<3072x512xf32, #tpu.memory_space<hbm>> -> memref<32x512xf32, #tpu.memory_space<hbm>>
      tpu.wait_dma2 semaphore(%run_scoped3A : memref<!tpu.dma_semaphore, #tpu.memory_space<semaphore_mem>>) src(%arg7 : memref<32x512xf32, #tpu.memory_space<vmem>>) dst(%dma_wait3A_46 : memref<32x512xf32, #tpu.memory_space<hbm>>)
      tpu.yield
    }) : () -> ()
    %dma_wait3A_32 = arith.constant 64 : i32
    %dma_wait3A_33 = tpu.memref_slice %arg5[%dma_wait3A_32] : memref<96xi32, #tpu.memory_space<vmem>> -> memref<32xi32, #tpu.memory_space<vmem>>
    %dma_wait3A_34 = arith.constant 0 : i32
    %dma_wait3A_35 = arith.constant 0 : i32
    %dma_wait3A_36 = tpu.memref_slice %arg2[%dma_wait3A_34, %dma_wait3A_35] : memref<100000x512xf32, #tpu.memory_space<hbm>> -> memref<100000x512xf32, #tpu.memory_space<hbm>>
    tpu.wait_indirect_dma semaphore(%arg8 : memref<!tpu.dma_semaphore, #tpu.memory_space<semaphore_mem>>) src(%dma_wait3A_36 : memref<100000x512xf32, #tpu.memory_space<hbm>>) dst(%arg6 : memref<32x512xf32, #tpu.memory_space<vmem>>)
    %add3A_37 = arith.constant 64 : i32
    %add3A_38 = arith.addi %mul3A_2, %add3A_37 : i32
    "tpu.region"() ({
      %run_scoped3A = tpu.sem_alloc : memref<!tpu.dma_semaphore, #tpu.memory_space<semaphore_mem>>
      %dma_start3A_39 = arith.constant 0 : i32
      %dma_start3A_40 = tpu.memref_slice %arg4[%add3A_38, %dma_start3A_39] : memref<3072x512xf32, #tpu.memory_space<hbm>> -> memref<32x512xf32, #tpu.memory_space<hbm>>
      %dma_start3A_41 = arith.constant 0 : i32
      %dma_start3A_42 = tpu.memref_slice %arg4[%add3A_38, %dma_start3A_41] : memref<3072x512xf32, #tpu.memory_space<hbm>> -> memref<32x512xf32, #tpu.memory_space<hbm>>
      tpu.enqueue_dma source(%arg6 : memref<32x512xf32, #tpu.memory_space<vmem>>) target(%dma_start3A_42 : memref<32x512xf32, #tpu.memory_space<hbm>>) target_semaphore(%run_scoped3A : memref<!tpu.dma_semaphore, #tpu.memory_space<semaphore_mem>>)
      %dma_wait3A_43 = arith.constant 0 : i32
      %dma_wait3A_44 = tpu.memref_slice %arg4[%add3A_38, %dma_wait3A_43] : memref<3072x512xf32, #tpu.memory_space<hbm>> -> memref<32x512xf32, #tpu.memory_space<hbm>>
      %dma_wait3A_45 = arith.constant 0 : i32
      %dma_wait3A_46 = tpu.memref_slice %arg4[%add3A_38, %dma_wait3A_45] : memref<3072x512xf32, #tpu.memory_space<hbm>> -> memref<32x512xf32, #tpu.memory_space<hbm>>
      tpu.wait_dma2 semaphore(%run_scoped3A : memref<!tpu.dma_semaphore, #tpu.memory_space<semaphore_mem>>) src(%arg6 : memref<32x512xf32, #tpu.memory_space<vmem>>) dst(%dma_wait3A_46 : memref<32x512xf32, #tpu.memory_space<hbm>>)
      tpu.yield
    }) : () -> ()
    return
  }
}

#map = affine_map<(d0, d1) -> (0, 0)>
#map1 = affine_map<(d0, d1) -> (0)>
module attributes {stable_mosaic.version = 14 : i64} {
  func.func @gather_kernel(%arg0: i32, %arg1: i32, %arg2: memref<100000x512xf32, #tpu.memory_space<hbm>>, %arg3: memref<8192xi32, #tpu.memory_space<hbm>>, %arg4: memref<5120x512xf32, #tpu.memory_space<hbm>>, %arg5: memref<160xi32, #tpu.memory_space<vmem>>, %arg6: memref<32x512xf32, #tpu.memory_space<vmem>>, %arg7: memref<32x512xf32, #tpu.memory_space<vmem>>, %arg8: memref<!tpu.dma_semaphore, #tpu.memory_space<semaphore_mem>>, %arg9: memref<!tpu.dma_semaphore, #tpu.memory_space<semaphore_mem>>) attributes {dimension_semantics = [#tpu.dimension_semantics<core_parallel>, #tpu.dimension_semantics<subcore_parallel>], iteration_bounds = array<i64: 2, 16>, scalar_prefetch = 0 : i64, scratch_operands = 5 : i64, tpu.core_type = #tpu.core_type<sc_vector_subcore>, window_params = [{transform_indices = #map}, {transform_indices = #map1}, {transform_indices = #map}]} {
    %mul3A = arith.constant 2 : i32
    %mul3A_0 = arith.muli %arg1, %mul3A : i32
    %add3A = arith.addi %mul3A_0, %arg0 : i32
    %mul3A_1 = arith.constant 160 : i32
    %mul3A_2 = arith.muli %add3A, %mul3A_1 : i32
    %add3A_3 = arith.constant 0 : i32
    %add3A_4 = arith.addi %add3A_3, %mul3A_2 : i32
    "tpu.region"() ({
      %run_scoped3A = tpu.sem_alloc : memref<!tpu.dma_semaphore, #tpu.memory_space<semaphore_mem>>
      %dma_start3A_63 = tpu.memref_slice %arg3[%add3A_4] : memref<8192xi32, #tpu.memory_space<hbm>> -> memref<160xi32, #tpu.memory_space<hbm>>
      %dma_start3A_64 = tpu.memref_slice %arg3[%add3A_4] : memref<8192xi32, #tpu.memory_space<hbm>> -> memref<160xi32, #tpu.memory_space<hbm>>
      tpu.enqueue_dma source(%dma_start3A_64 : memref<160xi32, #tpu.memory_space<hbm>>) target(%arg5 : memref<160xi32, #tpu.memory_space<vmem>>) target_semaphore(%run_scoped3A : memref<!tpu.dma_semaphore, #tpu.memory_space<semaphore_mem>>)
      %dma_wait3A_65 = tpu.memref_slice %arg3[%add3A_4] : memref<8192xi32, #tpu.memory_space<hbm>> -> memref<160xi32, #tpu.memory_space<hbm>>
      %dma_wait3A_66 = tpu.memref_slice %arg3[%add3A_4] : memref<8192xi32, #tpu.memory_space<hbm>> -> memref<160xi32, #tpu.memory_space<hbm>>
      tpu.wait_dma2 semaphore(%run_scoped3A : memref<!tpu.dma_semaphore, #tpu.memory_space<semaphore_mem>>) src(%dma_wait3A_66 : memref<160xi32, #tpu.memory_space<hbm>>) dst(%arg5 : memref<160xi32, #tpu.memory_space<vmem>>)
      tpu.yield
    }) : () -> ()
    %dma_start3A = arith.constant 0 : i32
    %dma_start3A_5 = tpu.memref_slice %arg5[%dma_start3A] : memref<160xi32, #tpu.memory_space<vmem>> -> memref<32xi32, #tpu.memory_space<vmem>>
    %dma_start3A_6 = arith.constant 0 : i32
    %dma_start3A_7 = arith.constant 0 : i32
    %dma_start3A_8 = tpu.memref_slice %arg2[%dma_start3A_6, %dma_start3A_7] : memref<100000x512xf32, #tpu.memory_space<hbm>> -> memref<100000x512xf32, #tpu.memory_space<hbm>>
    tpu.enqueue_indirect_dma source(%dma_start3A_8 : memref<100000x512xf32, #tpu.memory_space<hbm>>) target(%arg6 : memref<32x512xf32, #tpu.memory_space<vmem>>) offsets(%dma_start3A_5 : memref<32xi32, #tpu.memory_space<vmem>>) semaphore(%arg8 : memref<!tpu.dma_semaphore, #tpu.memory_space<semaphore_mem>>)
    %dma_start3A_9 = arith.constant 32 : i32
    %dma_start3A_10 = tpu.memref_slice %arg5[%dma_start3A_9] : memref<160xi32, #tpu.memory_space<vmem>> -> memref<32xi32, #tpu.memory_space<vmem>>
    %dma_start3A_11 = arith.constant 0 : i32
    %dma_start3A_12 = arith.constant 0 : i32
    %dma_start3A_13 = tpu.memref_slice %arg2[%dma_start3A_11, %dma_start3A_12] : memref<100000x512xf32, #tpu.memory_space<hbm>> -> memref<100000x512xf32, #tpu.memory_space<hbm>>
    tpu.enqueue_indirect_dma source(%dma_start3A_13 : memref<100000x512xf32, #tpu.memory_space<hbm>>) target(%arg7 : memref<32x512xf32, #tpu.memory_space<vmem>>) offsets(%dma_start3A_10 : memref<32xi32, #tpu.memory_space<vmem>>) semaphore(%arg9 : memref<!tpu.dma_semaphore, #tpu.memory_space<semaphore_mem>>)
    %dma_wait3A = arith.constant 0 : i32
    %dma_wait3A_14 = tpu.memref_slice %arg5[%dma_wait3A] : memref<160xi32, #tpu.memory_space<vmem>> -> memref<32xi32, #tpu.memory_space<vmem>>
    %dma_wait3A_15 = arith.constant 0 : i32
    %dma_wait3A_16 = arith.constant 0 : i32
    %dma_wait3A_17 = tpu.memref_slice %arg2[%dma_wait3A_15, %dma_wait3A_16] : memref<100000x512xf32, #tpu.memory_space<hbm>> -> memref<100000x512xf32, #tpu.memory_space<hbm>>
    tpu.wait_indirect_dma semaphore(%arg8 : memref<!tpu.dma_semaphore, #tpu.memory_space<semaphore_mem>>) src(%dma_wait3A_17 : memref<100000x512xf32, #tpu.memory_space<hbm>>) dst(%arg6 : memref<32x512xf32, #tpu.memory_space<vmem>>)
    %add3A_18 = arith.constant 0 : i32
    %add3A_19 = arith.addi %mul3A_2, %add3A_18 : i32
    "tpu.region"() ({
      %run_scoped3A = tpu.sem_alloc : memref<!tpu.dma_semaphore, #tpu.memory_space<semaphore_mem>>
      %dma_start3A_63 = arith.constant 0 : i32
      %dma_start3A_64 = tpu.memref_slice %arg4[%add3A_19, %dma_start3A_63] : memref<5120x512xf32, #tpu.memory_space<hbm>> -> memref<32x512xf32, #tpu.memory_space<hbm>>
      %dma_start3A_65 = arith.constant 0 : i32
      %dma_start3A_66 = tpu.memref_slice %arg4[%add3A_19, %dma_start3A_65] : memref<5120x512xf32, #tpu.memory_space<hbm>> -> memref<32x512xf32, #tpu.memory_space<hbm>>
      tpu.enqueue_dma source(%arg6 : memref<32x512xf32, #tpu.memory_space<vmem>>) target(%dma_start3A_66 : memref<32x512xf32, #tpu.memory_space<hbm>>) target_semaphore(%run_scoped3A : memref<!tpu.dma_semaphore, #tpu.memory_space<semaphore_mem>>)
      %dma_wait3A_67 = arith.constant 0 : i32
      %dma_wait3A_68 = tpu.memref_slice %arg4[%add3A_19, %dma_wait3A_67] : memref<5120x512xf32, #tpu.memory_space<hbm>> -> memref<32x512xf32, #tpu.memory_space<hbm>>
      %dma_wait3A_69 = arith.constant 0 : i32
      %dma_wait3A_70 = tpu.memref_slice %arg4[%add3A_19, %dma_wait3A_69] : memref<5120x512xf32, #tpu.memory_space<hbm>> -> memref<32x512xf32, #tpu.memory_space<hbm>>
      tpu.wait_dma2 semaphore(%run_scoped3A : memref<!tpu.dma_semaphore, #tpu.memory_space<semaphore_mem>>) src(%arg6 : memref<32x512xf32, #tpu.memory_space<vmem>>) dst(%dma_wait3A_70 : memref<32x512xf32, #tpu.memory_space<hbm>>)
      tpu.yield
    }) : () -> ()
    %dma_start3A_20 = arith.constant 64 : i32
    %dma_start3A_21 = tpu.memref_slice %arg5[%dma_start3A_20] : memref<160xi32, #tpu.memory_space<vmem>> -> memref<32xi32, #tpu.memory_space<vmem>>
    %dma_start3A_22 = arith.constant 0 : i32
    %dma_start3A_23 = arith.constant 0 : i32
    %dma_start3A_24 = tpu.memref_slice %arg2[%dma_start3A_22, %dma_start3A_23] : memref<100000x512xf32, #tpu.memory_space<hbm>> -> memref<100000x512xf32, #tpu.memory_space<hbm>>
    tpu.enqueue_indirect_dma source(%dma_start3A_24 : memref<100000x512xf32, #tpu.memory_space<hbm>>) target(%arg6 : memref<32x512xf32, #tpu.memory_space<vmem>>) offsets(%dma_start3A_21 : memref<32xi32, #tpu.memory_space<vmem>>) semaphore(%arg8 : memref<!tpu.dma_semaphore, #tpu.memory_space<semaphore_mem>>)
    %dma_wait3A_25 = arith.constant 32 : i32
    %dma_wait3A_26 = tpu.memref_slice %arg5[%dma_wait3A_25] : memref<160xi32, #tpu.memory_space<vmem>> -> memref<32xi32, #tpu.memory_space<vmem>>
    %dma_wait3A_27 = arith.constant 0 : i32
    %dma_wait3A_28 = arith.constant 0 : i32
    %dma_wait3A_29 = tpu.memref_slice %arg2[%dma_wait3A_27, %dma_wait3A_28] : memref<100000x512xf32, #tpu.memory_space<hbm>> -> memref<100000x512xf32, #tpu.memory_space<hbm>>
    tpu.wait_indirect_dma semaphore(%arg9 : memref<!tpu.dma_semaphore, #tpu.memory_space<semaphore_mem>>) src(%dma_wait3A_29 : memref<100000x512xf32, #tpu.memory_space<hbm>>) dst(%arg7 : memref<32x512xf32, #tpu.memory_space<vmem>>)
    %add3A_30 = arith.constant 32 : i32
    %add3A_31 = arith.addi %mul3A_2, %add3A_30 : i32
    "tpu.region"() ({
      %run_scoped3A = tpu.sem_alloc : memref<!tpu.dma_semaphore, #tpu.memory_space<semaphore_mem>>
      %dma_start3A_63 = arith.constant 0 : i32
      %dma_start3A_64 = tpu.memref_slice %arg4[%add3A_31, %dma_start3A_63] : memref<5120x512xf32, #tpu.memory_space<hbm>> -> memref<32x512xf32, #tpu.memory_space<hbm>>
      %dma_start3A_65 = arith.constant 0 : i32
      %dma_start3A_66 = tpu.memref_slice %arg4[%add3A_31, %dma_start3A_65] : memref<5120x512xf32, #tpu.memory_space<hbm>> -> memref<32x512xf32, #tpu.memory_space<hbm>>
      tpu.enqueue_dma source(%arg7 : memref<32x512xf32, #tpu.memory_space<vmem>>) target(%dma_start3A_66 : memref<32x512xf32, #tpu.memory_space<hbm>>) target_semaphore(%run_scoped3A : memref<!tpu.dma_semaphore, #tpu.memory_space<semaphore_mem>>)
      %dma_wait3A_67 = arith.constant 0 : i32
      %dma_wait3A_68 = tpu.memref_slice %arg4[%add3A_31, %dma_wait3A_67] : memref<5120x512xf32, #tpu.memory_space<hbm>> -> memref<32x512xf32, #tpu.memory_space<hbm>>
      %dma_wait3A_69 = arith.constant 0 : i32
      %dma_wait3A_70 = tpu.memref_slice %arg4[%add3A_31, %dma_wait3A_69] : memref<5120x512xf32, #tpu.memory_space<hbm>> -> memref<32x512xf32, #tpu.memory_space<hbm>>
      tpu.wait_dma2 semaphore(%run_scoped3A : memref<!tpu.dma_semaphore, #tpu.memory_space<semaphore_mem>>) src(%arg7 : memref<32x512xf32, #tpu.memory_space<vmem>>) dst(%dma_wait3A_70 : memref<32x512xf32, #tpu.memory_space<hbm>>)
      tpu.yield
    }) : () -> ()
    %dma_start3A_32 = arith.constant 96 : i32
    %dma_start3A_33 = tpu.memref_slice %arg5[%dma_start3A_32] : memref<160xi32, #tpu.memory_space<vmem>> -> memref<32xi32, #tpu.memory_space<vmem>>
    %dma_start3A_34 = arith.constant 0 : i32
    %dma_start3A_35 = arith.constant 0 : i32
    %dma_start3A_36 = tpu.memref_slice %arg2[%dma_start3A_34, %dma_start3A_35] : memref<100000x512xf32, #tpu.memory_space<hbm>> -> memref<100000x512xf32, #tpu.memory_space<hbm>>
    tpu.enqueue_indirect_dma source(%dma_start3A_36 : memref<100000x512xf32, #tpu.memory_space<hbm>>) target(%arg7 : memref<32x512xf32, #tpu.memory_space<vmem>>) offsets(%dma_start3A_33 : memref<32xi32, #tpu.memory_space<vmem>>) semaphore(%arg9 : memref<!tpu.dma_semaphore, #tpu.memory_space<semaphore_mem>>)
    %dma_wait3A_37 = arith.constant 64 : i32
    %dma_wait3A_38 = tpu.memref_slice %arg5[%dma_wait3A_37] : memref<160xi32, #tpu.memory_space<vmem>> -> memref<32xi32, #tpu.memory_space<vmem>>
    %dma_wait3A_39 = arith.constant 0 : i32
    %dma_wait3A_40 = arith.constant 0 : i32
    %dma_wait3A_41 = tpu.memref_slice %arg2[%dma_wait3A_39, %dma_wait3A_40] : memref<100000x512xf32, #tpu.memory_space<hbm>> -> memref<100000x512xf32, #tpu.memory_space<hbm>>
    tpu.wait_indirect_dma semaphore(%arg8 : memref<!tpu.dma_semaphore, #tpu.memory_space<semaphore_mem>>) src(%dma_wait3A_41 : memref<100000x512xf32, #tpu.memory_space<hbm>>) dst(%arg6 : memref<32x512xf32, #tpu.memory_space<vmem>>)
    %add3A_42 = arith.constant 64 : i32
    %add3A_43 = arith.addi %mul3A_2, %add3A_42 : i32
    "tpu.region"() ({
      %run_scoped3A = tpu.sem_alloc : memref<!tpu.dma_semaphore, #tpu.memory_space<semaphore_mem>>
      %dma_start3A_63 = arith.constant 0 : i32
      %dma_start3A_64 = tpu.memref_slice %arg4[%add3A_43, %dma_start3A_63] : memref<5120x512xf32, #tpu.memory_space<hbm>> -> memref<32x512xf32, #tpu.memory_space<hbm>>
      %dma_start3A_65 = arith.constant 0 : i32
      %dma_start3A_66 = tpu.memref_slice %arg4[%add3A_43, %dma_start3A_65] : memref<5120x512xf32, #tpu.memory_space<hbm>> -> memref<32x512xf32, #tpu.memory_space<hbm>>
      tpu.enqueue_dma source(%arg6 : memref<32x512xf32, #tpu.memory_space<vmem>>) target(%dma_start3A_66 : memref<32x512xf32, #tpu.memory_space<hbm>>) target_semaphore(%run_scoped3A : memref<!tpu.dma_semaphore, #tpu.memory_space<semaphore_mem>>)
      %dma_wait3A_67 = arith.constant 0 : i32
      %dma_wait3A_68 = tpu.memref_slice %arg4[%add3A_43, %dma_wait3A_67] : memref<5120x512xf32, #tpu.memory_space<hbm>> -> memref<32x512xf32, #tpu.memory_space<hbm>>
      %dma_wait3A_69 = arith.constant 0 : i32
      %dma_wait3A_70 = tpu.memref_slice %arg4[%add3A_43, %dma_wait3A_69] : memref<5120x512xf32, #tpu.memory_space<hbm>> -> memref<32x512xf32, #tpu.memory_space<hbm>>
      tpu.wait_dma2 semaphore(%run_scoped3A : memref<!tpu.dma_semaphore, #tpu.memory_space<semaphore_mem>>) src(%arg6 : memref<32x512xf32, #tpu.memory_space<vmem>>) dst(%dma_wait3A_70 : memref<32x512xf32, #tpu.memory_space<hbm>>)
      tpu.yield
    }) : () -> ()
    %dma_start3A_44 = arith.constant 128 : i32
    %dma_start3A_45 = tpu.memref_slice %arg5[%dma_start3A_44] : memref<160xi32, #tpu.memory_space<vmem>> -> memref<32xi32, #tpu.memory_space<vmem>>
    %dma_start3A_46 = arith.constant 0 : i32
    %dma_start3A_47 = arith.constant 0 : i32
    %dma_start3A_48 = tpu.memref_slice %arg2[%dma_start3A_46, %dma_start3A_47] : memref<100000x512xf32, #tpu.memory_space<hbm>> -> memref<100000x512xf32, #tpu.memory_space<hbm>>
    tpu.enqueue_indirect_dma source(%dma_start3A_48 : memref<100000x512xf32, #tpu.memory_space<hbm>>) target(%arg6 : memref<32x512xf32, #tpu.memory_space<vmem>>) offsets(%dma_start3A_45 : memref<32xi32, #tpu.memory_space<vmem>>) semaphore(%arg8 : memref<!tpu.dma_semaphore, #tpu.memory_space<semaphore_mem>>)
    %dma_wait3A_49 = arith.constant 96 : i32
    %dma_wait3A_50 = tpu.memref_slice %arg5[%dma_wait3A_49] : memref<160xi32, #tpu.memory_space<vmem>> -> memref<32xi32, #tpu.memory_space<vmem>>
    %dma_wait3A_51 = arith.constant 0 : i32
    %dma_wait3A_52 = arith.constant 0 : i32
    %dma_wait3A_53 = tpu.memref_slice %arg2[%dma_wait3A_51, %dma_wait3A_52] : memref<100000x512xf32, #tpu.memory_space<hbm>> -> memref<100000x512xf32, #tpu.memory_space<hbm>>
    tpu.wait_indirect_dma semaphore(%arg9 : memref<!tpu.dma_semaphore, #tpu.memory_space<semaphore_mem>>) src(%dma_wait3A_53 : memref<100000x512xf32, #tpu.memory_space<hbm>>) dst(%arg7 : memref<32x512xf32, #tpu.memory_space<vmem>>)
    %add3A_54 = arith.constant 96 : i32
    %add3A_55 = arith.addi %mul3A_2, %add3A_54 : i32
    "tpu.region"() ({
      %run_scoped3A = tpu.sem_alloc : memref<!tpu.dma_semaphore, #tpu.memory_space<semaphore_mem>>
      %dma_start3A_63 = arith.constant 0 : i32
      %dma_start3A_64 = tpu.memref_slice %arg4[%add3A_55, %dma_start3A_63] : memref<5120x512xf32, #tpu.memory_space<hbm>> -> memref<32x512xf32, #tpu.memory_space<hbm>>
      %dma_start3A_65 = arith.constant 0 : i32
      %dma_start3A_66 = tpu.memref_slice %arg4[%add3A_55, %dma_start3A_65] : memref<5120x512xf32, #tpu.memory_space<hbm>> -> memref<32x512xf32, #tpu.memory_space<hbm>>
      tpu.enqueue_dma source(%arg7 : memref<32x512xf32, #tpu.memory_space<vmem>>) target(%dma_start3A_66 : memref<32x512xf32, #tpu.memory_space<hbm>>) target_semaphore(%run_scoped3A : memref<!tpu.dma_semaphore, #tpu.memory_space<semaphore_mem>>)
      %dma_wait3A_67 = arith.constant 0 : i32
      %dma_wait3A_68 = tpu.memref_slice %arg4[%add3A_55, %dma_wait3A_67] : memref<5120x512xf32, #tpu.memory_space<hbm>> -> memref<32x512xf32, #tpu.memory_space<hbm>>
      %dma_wait3A_69 = arith.constant 0 : i32
      %dma_wait3A_70 = tpu.memref_slice %arg4[%add3A_55, %dma_wait3A_69] : memref<5120x512xf32, #tpu.memory_space<hbm>> -> memref<32x512xf32, #tpu.memory_space<hbm>>
      tpu.wait_dma2 semaphore(%run_scoped3A : memref<!tpu.dma_semaphore, #tpu.memory_space<semaphore_mem>>) src(%arg7 : memref<32x512xf32, #tpu.memory_space<vmem>>) dst(%dma_wait3A_70 : memref<32x512xf32, #tpu.memory_space<hbm>>)
      tpu.yield
    }) : () -> ()
    %dma_wait3A_56 = arith.constant 128 : i32
    %dma_wait3A_57 = tpu.memref_slice %arg5[%dma_wait3A_56] : memref<160xi32, #tpu.memory_space<vmem>> -> memref<32xi32, #tpu.memory_space<vmem>>
    %dma_wait3A_58 = arith.constant 0 : i32
    %dma_wait3A_59 = arith.constant 0 : i32
    %dma_wait3A_60 = tpu.memref_slice %arg2[%dma_wait3A_58, %dma_wait3A_59] : memref<100000x512xf32, #tpu.memory_space<hbm>> -> memref<100000x512xf32, #tpu.memory_space<hbm>>
    tpu.wait_indirect_dma semaphore(%arg8 : memref<!tpu.dma_semaphore, #tpu.memory_space<semaphore_mem>>) src(%dma_wait3A_60 : memref<100000x512xf32, #tpu.memory_space<hbm>>) dst(%arg6 : memref<32x512xf32, #tpu.memory_space<vmem>>)
    %add3A_61 = arith.constant 128 : i32
    %add3A_62 = arith.addi %mul3A_2, %add3A_61 : i32
    "tpu.region"() ({
      %run_scoped3A = tpu.sem_alloc : memref<!tpu.dma_semaphore, #tpu.memory_space<semaphore_mem>>
      %dma_start3A_63 = arith.constant 0 : i32
      %dma_start3A_64 = tpu.memref_slice %arg4[%add3A_62, %dma_start3A_63] : memref<5120x512xf32, #tpu.memory_space<hbm>> -> memref<32x512xf32, #tpu.memory_space<hbm>>
      %dma_start3A_65 = arith.constant 0 : i32
      %dma_start3A_66 = tpu.memref_slice %arg4[%add3A_62, %dma_start3A_65] : memref<5120x512xf32, #tpu.memory_space<hbm>> -> memref<32x512xf32, #tpu.memory_space<hbm>>
      tpu.enqueue_dma source(%arg6 : memref<32x512xf32, #tpu.memory_space<vmem>>) target(%dma_start3A_66 : memref<32x512xf32, #tpu.memory_space<hbm>>) target_semaphore(%run_scoped3A : memref<!tpu.dma_semaphore, #tpu.memory_space<semaphore_mem>>)
      %dma_wait3A_67 = arith.constant 0 : i32
      %dma_wait3A_68 = tpu.memref_slice %arg4[%add3A_62, %dma_wait3A_67] : memref<5120x512xf32, #tpu.memory_space<hbm>> -> memref<32x512xf32, #tpu.memory_space<hbm>>
      %dma_wait3A_69 = arith.constant 0 : i32
      %dma_wait3A_70 = tpu.memref_slice %arg4[%add3A_62, %dma_wait3A_69] : memref<5120x512xf32, #tpu.memory_space<hbm>> -> memref<32x512xf32, #tpu.memory_space<hbm>>
      tpu.wait_dma2 semaphore(%run_scoped3A : memref<!tpu.dma_semaphore, #tpu.memory_space<semaphore_mem>>) src(%arg6 : memref<32x512xf32, #tpu.memory_space<vmem>>) dst(%dma_wait3A_70 : memref<32x512xf32, #tpu.memory_space<hbm>>)
      tpu.yield
    }) : () -> ()
    return
  }
}

module attributes {stable_mosaic.version = 14 : i64} {
  func.func @body(%arg0: i32, %arg1: memref<9xi32, #tpu.memory_space<smem>>, %arg2: memref<2560x512xf32, #tpu.memory_space<vmem>>, %arg3: memref<512x512xbf16, #tpu.memory_space<vmem>>, %arg4: memref<1x512xf32, #tpu.memory_space<vmem>>, %arg5: memref<8x512xf32, #tpu.memory_space<vmem>>, %arg6: memref<8x512xf32, #tpu.memory_space<vmem>>) attributes {dimension_semantics = [#tpu.dimension_semantics<arbitrary>], iteration_bounds = array<i64: 2>, scalar_prefetch = 0 : i64, scratch_operands = 0 : i64, tpu.core_type = #tpu.core_type<tc>, window_params = [{transform_indices = @transform_0, window_bounds = array<i64: 9>}, {transform_indices = @transform_1, window_bounds = array<i64: 2560, 512>}, {pipeline_mode = #tpu.pipeline_mode<synchronous>, transform_indices = @transform_2, window_bounds = array<i64: 512, 512>}, {pipeline_mode = #tpu.pipeline_mode<synchronous>, transform_indices = @transform_3, window_bounds = array<i64: 1, 512>}, {pipeline_mode = #tpu.pipeline_mode<synchronous>, transform_indices = @transform_4, window_bounds = array<i64: 8, 512>}, {pipeline_mode = #tpu.pipeline_mode<synchronous>, transform_indices = @transform_5, window_bounds = array<i64: 8, 512>}]} {
    %get3A = arith.constant 0 : index
    %get3A_0 = arith.constant 0 : index
    %get3A_1 = vector.load %arg2[%get3A, %get3A_0] : memref<2560x512xf32, #tpu.memory_space<vmem>>, vector<2560x512xf32>
    %convert_element_type3A = arith.truncf %get3A_1 : vector<2560x512xf32> to vector<2560x512xbf16>
    %get3A_2 = arith.constant 0 : index
    %get3A_3 = arith.constant 0 : index
    %get3A_4 = vector.load %arg3[%get3A_2, %get3A_3] : memref<512x512xbf16, #tpu.memory_space<vmem>>, vector<512x512xbf16>
    %dot_general3A = arith.constant dense<0.000000e+00> : vector<2560x512xf32>
    %dot_general3A_5 = tpu.matmul %convert_element_type3A, %get3A_4, %dot_general3A {dimension_numbers = #tpu.dot_dimension_numbers<[1], [0], [0], [1], [0, 0, 1, 1], [], []>, transpose_lhs_hint = false} : vector<2560x512xbf16>, vector<512x512xbf16>, vector<2560x512xf32> -> vector<2560x512xf32>
    %get3A_6 = arith.constant 0 : index
    %get3A_7 = arith.constant 0 : index
    %get3A_8 = vector.load %arg4[%get3A_6, %get3A_7] : memref<1x512xf32, #tpu.memory_space<vmem>>, vector<1x512xf32>
    %add3A = vector.broadcast %get3A_8 : vector<1x512xf32> to vector<2560x512xf32>
    %add3A_9 = arith.addf %dot_general3A_5, %add3A : vector<2560x512xf32>
    %tanh3A = math.tanh %add3A_9 : vector<2560x512xf32>
    %iota3A = tpu.iota {dimensions = array<i32: 1>} : vector<8x2560xi32>
    %add3A_10 = arith.constant 0 : i32
    %add3A_11 = vector.broadcast %add3A_10 : i32 to vector<8x2560xi32>
    %add3A_12 = arith.addi %iota3A, %add3A_11 : vector<8x2560xi32>
    %mul3A = arith.constant 2560 : i32
    %mul3A_13 = arith.muli %arg0, %mul3A : i32
    %add3A_14 = vector.broadcast %mul3A_13 : i32 to vector<8x2560xi32>
    %add3A_15 = arith.addi %add3A_12, %add3A_14 : vector<8x2560xi32>
    %get3A_16 = arith.constant 0 : index
    %get3A_17 = memref.load %arg1[%get3A_16] : memref<9xi32, #tpu.memory_space<smem>>
    %broadcast_in_dim3A = vector.broadcast %get3A_17 : i32 to vector<1x2560xi32>
    %get3A_18 = arith.constant 1 : index
    %get3A_19 = memref.load %arg1[%get3A_18] : memref<9xi32, #tpu.memory_space<smem>>
    %broadcast_in_dim3A_20 = vector.broadcast %get3A_19 : i32 to vector<1x2560xi32>
    %get3A_21 = arith.constant 2 : index
    %get3A_22 = memref.load %arg1[%get3A_21] : memref<9xi32, #tpu.memory_space<smem>>
    %broadcast_in_dim3A_23 = vector.broadcast %get3A_22 : i32 to vector<1x2560xi32>
    %get3A_24 = arith.constant 3 : index
    %get3A_25 = memref.load %arg1[%get3A_24] : memref<9xi32, #tpu.memory_space<smem>>
    %broadcast_in_dim3A_26 = vector.broadcast %get3A_25 : i32 to vector<1x2560xi32>
    %get3A_27 = arith.constant 4 : index
    %get3A_28 = memref.load %arg1[%get3A_27] : memref<9xi32, #tpu.memory_space<smem>>
    %broadcast_in_dim3A_29 = vector.broadcast %get3A_28 : i32 to vector<1x2560xi32>
    %get3A_30 = arith.constant 5 : index
    %get3A_31 = memref.load %arg1[%get3A_30] : memref<9xi32, #tpu.memory_space<smem>>
    %broadcast_in_dim3A_32 = vector.broadcast %get3A_31 : i32 to vector<1x2560xi32>
    %get3A_33 = arith.constant 6 : index
    %get3A_34 = memref.load %arg1[%get3A_33] : memref<9xi32, #tpu.memory_space<smem>>
    %broadcast_in_dim3A_35 = vector.broadcast %get3A_34 : i32 to vector<1x2560xi32>
    %get3A_36 = arith.constant 7 : index
    %get3A_37 = memref.load %arg1[%get3A_36] : memref<9xi32, #tpu.memory_space<smem>>
    %broadcast_in_dim3A_38 = vector.broadcast %get3A_37 : i32 to vector<1x2560xi32>
    %concatenate3A = tpu.concatenate %broadcast_in_dim3A, %broadcast_in_dim3A_20, %broadcast_in_dim3A_23, %broadcast_in_dim3A_26, %broadcast_in_dim3A_29, %broadcast_in_dim3A_32, %broadcast_in_dim3A_35, %broadcast_in_dim3A_38 in 0 : vector<1x2560xi32>, vector<1x2560xi32>, vector<1x2560xi32>, vector<1x2560xi32>, vector<1x2560xi32>, vector<1x2560xi32>, vector<1x2560xi32>, vector<1x2560xi32> -> vector<8x2560xi32>
    %get3A_39 = arith.constant 1 : index
    %get3A_40 = memref.load %arg1[%get3A_39] : memref<9xi32, #tpu.memory_space<smem>>
    %broadcast_in_dim3A_41 = vector.broadcast %get3A_40 : i32 to vector<1x2560xi32>
    %get3A_42 = arith.constant 2 : index
    %get3A_43 = memref.load %arg1[%get3A_42] : memref<9xi32, #tpu.memory_space<smem>>
    %broadcast_in_dim3A_44 = vector.broadcast %get3A_43 : i32 to vector<1x2560xi32>
    %get3A_45 = arith.constant 3 : index
    %get3A_46 = memref.load %arg1[%get3A_45] : memref<9xi32, #tpu.memory_space<smem>>
    %broadcast_in_dim3A_47 = vector.broadcast %get3A_46 : i32 to vector<1x2560xi32>
    %get3A_48 = arith.constant 4 : index
    %get3A_49 = memref.load %arg1[%get3A_48] : memref<9xi32, #tpu.memory_space<smem>>
    %broadcast_in_dim3A_50 = vector.broadcast %get3A_49 : i32 to vector<1x2560xi32>
    %get3A_51 = arith.constant 5 : index
    %get3A_52 = memref.load %arg1[%get3A_51] : memref<9xi32, #tpu.memory_space<smem>>
    %broadcast_in_dim3A_53 = vector.broadcast %get3A_52 : i32 to vector<1x2560xi32>
    %get3A_54 = arith.constant 6 : index
    %get3A_55 = memref.load %arg1[%get3A_54] : memref<9xi32, #tpu.memory_space<smem>>
    %broadcast_in_dim3A_56 = vector.broadcast %get3A_55 : i32 to vector<1x2560xi32>
    %get3A_57 = arith.constant 7 : index
    %get3A_58 = memref.load %arg1[%get3A_57] : memref<9xi32, #tpu.memory_space<smem>>
    %broadcast_in_dim3A_59 = vector.broadcast %get3A_58 : i32 to vector<1x2560xi32>
    %get3A_60 = arith.constant 8 : index
    %get3A_61 = memref.load %arg1[%get3A_60] : memref<9xi32, #tpu.memory_space<smem>>
    %broadcast_in_dim3A_62 = vector.broadcast %get3A_61 : i32 to vector<1x2560xi32>
    %concatenate3A_63 = tpu.concatenate %broadcast_in_dim3A_41, %broadcast_in_dim3A_44, %broadcast_in_dim3A_47, %broadcast_in_dim3A_50, %broadcast_in_dim3A_53, %broadcast_in_dim3A_56, %broadcast_in_dim3A_59, %broadcast_in_dim3A_62 in 0 : vector<1x2560xi32>, vector<1x2560xi32>, vector<1x2560xi32>, vector<1x2560xi32>, vector<1x2560xi32>, vector<1x2560xi32>, vector<1x2560xi32>, vector<1x2560xi32> -> vector<8x2560xi32>
    %ge3A = arith.cmpi sge, %add3A_15, %concatenate3A : vector<8x2560xi32>
    %lt3A = arith.cmpi slt, %add3A_15, %concatenate3A_63 : vector<8x2560xi32>
    %and3A = arith.andi %ge3A, %lt3A : vector<8x2560xi1>
    %convert_element_type3A_64 = arith.extui %and3A : vector<8x2560xi1> to vector<8x2560xi32>
    %convert_element_type3A_65 = arith.sitofp %convert_element_type3A_64 : vector<8x2560xi32> to vector<8x2560xf32>
    %convert_element_type3A_66 = arith.truncf %convert_element_type3A_65 : vector<8x2560xf32> to vector<8x2560xbf16>
    %convert_element_type3A_67 = arith.truncf %tanh3A : vector<2560x512xf32> to vector<2560x512xbf16>
    %dot_general3A_68 = arith.constant dense<0.000000e+00> : vector<8x512xf32>
    %dot_general3A_69 = tpu.matmul %convert_element_type3A_66, %convert_element_type3A_67, %dot_general3A_68 {dimension_numbers = #tpu.dot_dimension_numbers<[1], [0], [0], [1], [0, 0, 1, 1], [], []>, transpose_lhs_hint = false} : vector<8x2560xbf16>, vector<2560x512xbf16>, vector<8x512xf32> -> vector<8x512xf32>
    %eq3A = arith.constant 0 : i32
    %eq3A_70 = arith.cmpi eq, %arg0, %eq3A : i32
    %convert_element_type3A_71 = arith.extui %eq3A_70 : i1 to i32
    %cond3A = arith.constant 0 : i32
    %cond3A_72 = arith.cmpi ne, %convert_element_type3A_71, %cond3A : i32
    scf.if %cond3A_72 {
      %get3A_77 = arith.constant 0 : index
      %get3A_78 = arith.constant 0 : index
      %get3A_79 = vector.load %arg5[%get3A_77, %get3A_78] : memref<8x512xf32, #tpu.memory_space<vmem>>, vector<8x512xf32>
      %add3A_80 = arith.addf %get3A_79, %dot_general3A_69 : vector<8x512xf32>
      %swap3A = arith.constant 0 : index
      %swap3A_81 = arith.constant 0 : index
      %swap3A_82 = vector.load %arg6[%swap3A, %swap3A_81] : memref<8x512xf32, #tpu.memory_space<vmem>>, vector<8x512xf32>
      tpu.vector_store %arg6[%swap3A, %swap3A_81], %add3A_80 {strides = array<i32>} : memref<8x512xf32, #tpu.memory_space<vmem>>, vector<8x512xf32>,
    } else {
    }
    %gt3A = arith.constant 0 : i32
    %gt3A_73 = arith.cmpi sgt, %arg0, %gt3A : i32
    %convert_element_type3A_74 = arith.extui %gt3A_73 : i1 to i32
    %cond3A_75 = arith.constant 0 : i32
    %cond3A_76 = arith.cmpi ne, %convert_element_type3A_74, %cond3A_75 : i32
    scf.if %cond3A_76 {
      %get3A_77 = arith.constant 0 : index
      %get3A_78 = arith.constant 0 : index
      %get3A_79 = vector.load %arg6[%get3A_77, %get3A_78] : memref<8x512xf32, #tpu.memory_space<vmem>>, vector<8x512xf32>
      %add3A_80 = arith.addf %get3A_79, %dot_general3A_69 : vector<8x512xf32>
      %swap3A = arith.constant 0 : index
      %swap3A_81 = arith.constant 0 : index
      %swap3A_82 = vector.load %arg6[%swap3A, %swap3A_81] : memref<8x512xf32, #tpu.memory_space<vmem>>, vector<8x512xf32>
      tpu.vector_store %arg6[%swap3A, %swap3A_81], %add3A_80 {strides = array<i32>} : memref<8x512xf32, #tpu.memory_space<vmem>>, vector<8x512xf32>,
    } else {
    }
    return
  }
  func.func @transform_0(%arg0: i32) -> i32 {
    %c0_i32 = arith.constant 0 : i32
    %c0_i32_0 = arith.constant 0 : i32
    return %c0_i32 : i32
  }
  func.func @transform_1(%arg0: i32) -> (i32, i32) {
    %c0_i32 = arith.constant 0 : i32
    %c0_i32_0 = arith.constant 0 : i32
    return %arg0, %c0_i32 : i32, i32
  }
  func.func @transform_2(%arg0: i32) -> (i32, i32) {
    %c0_i32 = arith.constant 0 : i32
    %c0_i32_0 = arith.constant 0 : i32
    %c0_i32_1 = arith.constant 0 : i32
    return %c0_i32, %c0_i32_0 : i32, i32
  }
  func.func @transform_3(%arg0: i32) -> (i32, i32) {
    %c0_i32 = arith.constant 0 : i32
    %c0_i32_0 = arith.constant 0 : i32
    %c0_i32_1 = arith.constant 0 : i32
    return %c0_i32, %c0_i32_0 : i32, i32
  }
  func.func @transform_4(%arg0: i32) -> (i32, i32) {
    %c0_i32 = arith.constant 0 : i32
    %c0_i32_0 = arith.constant 0 : i32
    %c0_i32_1 = arith.constant 0 : i32
    return %c0_i32, %c0_i32_0 : i32, i32
  }
  func.func @transform_5(%arg0: i32) -> (i32, i32) {
    %c0_i32 = arith.constant 0 : i32
    %c0_i32_0 = arith.constant 0 : i32
    %c0_i32_1 = arith.constant 0 : i32
    return %c0_i32, %c0_i32_0 : i32, i32
  }
}

module attributes {stable_mosaic.version = 14 : i64} {
  func.func @body(%arg0: i32, %arg1: memref<9xi32, #tpu.memory_space<smem>>, %arg2: memref<1536x512xf32, #tpu.memory_space<vmem>>, %arg3: memref<512x512xbf16, #tpu.memory_space<vmem>>, %arg4: memref<1x512xf32, #tpu.memory_space<vmem>>, %arg5: memref<8x512xf32, #tpu.memory_space<vmem>>, %arg6: memref<8x512xf32, #tpu.memory_space<vmem>>) attributes {dimension_semantics = [#tpu.dimension_semantics<arbitrary>], iteration_bounds = array<i64: 2>, scalar_prefetch = 0 : i64, scratch_operands = 0 : i64, tpu.core_type = #tpu.core_type<tc>, window_params = [{transform_indices = @transform_0, window_bounds = array<i64: 9>}, {transform_indices = @transform_1, window_bounds = array<i64: 1536, 512>}, {pipeline_mode = #tpu.pipeline_mode<synchronous>, transform_indices = @transform_2, window_bounds = array<i64: 512, 512>}, {pipeline_mode = #tpu.pipeline_mode<synchronous>, transform_indices = @transform_3, window_bounds = array<i64: 1, 512>}, {pipeline_mode = #tpu.pipeline_mode<synchronous>, transform_indices = @transform_4, window_bounds = array<i64: 8, 512>}, {pipeline_mode = #tpu.pipeline_mode<synchronous>, transform_indices = @transform_5, window_bounds = array<i64: 8, 512>}]} {
    %get3A = arith.constant 0 : index
    %get3A_0 = arith.constant 0 : index
    %get3A_1 = vector.load %arg2[%get3A, %get3A_0] : memref<1536x512xf32, #tpu.memory_space<vmem>>, vector<1536x512xf32>
    %convert_element_type3A = arith.truncf %get3A_1 : vector<1536x512xf32> to vector<1536x512xbf16>
    %get3A_2 = arith.constant 0 : index
    %get3A_3 = arith.constant 0 : index
    %get3A_4 = vector.load %arg3[%get3A_2, %get3A_3] : memref<512x512xbf16, #tpu.memory_space<vmem>>, vector<512x512xbf16>
    %dot_general3A = arith.constant dense<0.000000e+00> : vector<1536x512xf32>
    %dot_general3A_5 = tpu.matmul %convert_element_type3A, %get3A_4, %dot_general3A {dimension_numbers = #tpu.dot_dimension_numbers<[1], [0], [0], [1], [0, 0, 1, 1], [], []>, transpose_lhs_hint = false} : vector<1536x512xbf16>, vector<512x512xbf16>, vector<1536x512xf32> -> vector<1536x512xf32>
    %get3A_6 = arith.constant 0 : index
    %get3A_7 = arith.constant 0 : index
    %get3A_8 = vector.load %arg4[%get3A_6, %get3A_7] : memref<1x512xf32, #tpu.memory_space<vmem>>, vector<1x512xf32>
    %add3A = vector.broadcast %get3A_8 : vector<1x512xf32> to vector<1536x512xf32>
    %add3A_9 = arith.addf %dot_general3A_5, %add3A : vector<1536x512xf32>
    %tanh3A = math.tanh %add3A_9 : vector<1536x512xf32>
    %iota3A = tpu.iota {dimensions = array<i32: 1>} : vector<8x1536xi32>
    %add3A_10 = arith.constant 5120 : i32
    %add3A_11 = vector.broadcast %add3A_10 : i32 to vector<8x1536xi32>
    %add3A_12 = arith.addi %iota3A, %add3A_11 : vector<8x1536xi32>
    %mul3A = arith.constant 1536 : i32
    %mul3A_13 = arith.muli %arg0, %mul3A : i32
    %add3A_14 = vector.broadcast %mul3A_13 : i32 to vector<8x1536xi32>
    %add3A_15 = arith.addi %add3A_12, %add3A_14 : vector<8x1536xi32>
    %get3A_16 = arith.constant 0 : index
    %get3A_17 = memref.load %arg1[%get3A_16] : memref<9xi32, #tpu.memory_space<smem>>
    %broadcast_in_dim3A = vector.broadcast %get3A_17 : i32 to vector<1x1536xi32>
    %get3A_18 = arith.constant 1 : index
    %get3A_19 = memref.load %arg1[%get3A_18] : memref<9xi32, #tpu.memory_space<smem>>
    %broadcast_in_dim3A_20 = vector.broadcast %get3A_19 : i32 to vector<1x1536xi32>
    %get3A_21 = arith.constant 2 : index
    %get3A_22 = memref.load %arg1[%get3A_21] : memref<9xi32, #tpu.memory_space<smem>>
    %broadcast_in_dim3A_23 = vector.broadcast %get3A_22 : i32 to vector<1x1536xi32>
    %get3A_24 = arith.constant 3 : index
    %get3A_25 = memref.load %arg1[%get3A_24] : memref<9xi32, #tpu.memory_space<smem>>
    %broadcast_in_dim3A_26 = vector.broadcast %get3A_25 : i32 to vector<1x1536xi32>
    %get3A_27 = arith.constant 4 : index
    %get3A_28 = memref.load %arg1[%get3A_27] : memref<9xi32, #tpu.memory_space<smem>>
    %broadcast_in_dim3A_29 = vector.broadcast %get3A_28 : i32 to vector<1x1536xi32>
    %get3A_30 = arith.constant 5 : index
    %get3A_31 = memref.load %arg1[%get3A_30] : memref<9xi32, #tpu.memory_space<smem>>
    %broadcast_in_dim3A_32 = vector.broadcast %get3A_31 : i32 to vector<1x1536xi32>
    %get3A_33 = arith.constant 6 : index
    %get3A_34 = memref.load %arg1[%get3A_33] : memref<9xi32, #tpu.memory_space<smem>>
    %broadcast_in_dim3A_35 = vector.broadcast %get3A_34 : i32 to vector<1x1536xi32>
    %get3A_36 = arith.constant 7 : index
    %get3A_37 = memref.load %arg1[%get3A_36] : memref<9xi32, #tpu.memory_space<smem>>
    %broadcast_in_dim3A_38 = vector.broadcast %get3A_37 : i32 to vector<1x1536xi32>
    %concatenate3A = tpu.concatenate %broadcast_in_dim3A, %broadcast_in_dim3A_20, %broadcast_in_dim3A_23, %broadcast_in_dim3A_26, %broadcast_in_dim3A_29, %broadcast_in_dim3A_32, %broadcast_in_dim3A_35, %broadcast_in_dim3A_38 in 0 : vector<1x1536xi32>, vector<1x1536xi32>, vector<1x1536xi32>, vector<1x1536xi32>, vector<1x1536xi32>, vector<1x1536xi32>, vector<1x1536xi32>, vector<1x1536xi32> -> vector<8x1536xi32>
    %get3A_39 = arith.constant 1 : index
    %get3A_40 = memref.load %arg1[%get3A_39] : memref<9xi32, #tpu.memory_space<smem>>
    %broadcast_in_dim3A_41 = vector.broadcast %get3A_40 : i32 to vector<1x1536xi32>
    %get3A_42 = arith.constant 2 : index
    %get3A_43 = memref.load %arg1[%get3A_42] : memref<9xi32, #tpu.memory_space<smem>>
    %broadcast_in_dim3A_44 = vector.broadcast %get3A_43 : i32 to vector<1x1536xi32>
    %get3A_45 = arith.constant 3 : index
    %get3A_46 = memref.load %arg1[%get3A_45] : memref<9xi32, #tpu.memory_space<smem>>
    %broadcast_in_dim3A_47 = vector.broadcast %get3A_46 : i32 to vector<1x1536xi32>
    %get3A_48 = arith.constant 4 : index
    %get3A_49 = memref.load %arg1[%get3A_48] : memref<9xi32, #tpu.memory_space<smem>>
    %broadcast_in_dim3A_50 = vector.broadcast %get3A_49 : i32 to vector<1x1536xi32>
    %get3A_51 = arith.constant 5 : index
    %get3A_52 = memref.load %arg1[%get3A_51] : memref<9xi32, #tpu.memory_space<smem>>
    %broadcast_in_dim3A_53 = vector.broadcast %get3A_52 : i32 to vector<1x1536xi32>
    %get3A_54 = arith.constant 6 : index
    %get3A_55 = memref.load %arg1[%get3A_54] : memref<9xi32, #tpu.memory_space<smem>>
    %broadcast_in_dim3A_56 = vector.broadcast %get3A_55 : i32 to vector<1x1536xi32>
    %get3A_57 = arith.constant 7 : index
    %get3A_58 = memref.load %arg1[%get3A_57] : memref<9xi32, #tpu.memory_space<smem>>
    %broadcast_in_dim3A_59 = vector.broadcast %get3A_58 : i32 to vector<1x1536xi32>
    %get3A_60 = arith.constant 8 : index
    %get3A_61 = memref.load %arg1[%get3A_60] : memref<9xi32, #tpu.memory_space<smem>>
    %broadcast_in_dim3A_62 = vector.broadcast %get3A_61 : i32 to vector<1x1536xi32>
    %concatenate3A_63 = tpu.concatenate %broadcast_in_dim3A_41, %broadcast_in_dim3A_44, %broadcast_in_dim3A_47, %broadcast_in_dim3A_50, %broadcast_in_dim3A_53, %broadcast_in_dim3A_56, %broadcast_in_dim3A_59, %broadcast_in_dim3A_62 in 0 : vector<1x1536xi32>, vector<1x1536xi32>, vector<1x1536xi32>, vector<1x1536xi32>, vector<1x1536xi32>, vector<1x1536xi32>, vector<1x1536xi32>, vector<1x1536xi32> -> vector<8x1536xi32>
    %ge3A = arith.cmpi sge, %add3A_15, %concatenate3A : vector<8x1536xi32>
    %lt3A = arith.cmpi slt, %add3A_15, %concatenate3A_63 : vector<8x1536xi32>
    %and3A = arith.andi %ge3A, %lt3A : vector<8x1536xi1>
    %convert_element_type3A_64 = arith.extui %and3A : vector<8x1536xi1> to vector<8x1536xi32>
    %convert_element_type3A_65 = arith.sitofp %convert_element_type3A_64 : vector<8x1536xi32> to vector<8x1536xf32>
    %convert_element_type3A_66 = arith.truncf %convert_element_type3A_65 : vector<8x1536xf32> to vector<8x1536xbf16>
    %convert_element_type3A_67 = arith.truncf %tanh3A : vector<1536x512xf32> to vector<1536x512xbf16>
    %dot_general3A_68 = arith.constant dense<0.000000e+00> : vector<8x512xf32>
    %dot_general3A_69 = tpu.matmul %convert_element_type3A_66, %convert_element_type3A_67, %dot_general3A_68 {dimension_numbers = #tpu.dot_dimension_numbers<[1], [0], [0], [1], [0, 0, 1, 1], [], []>, transpose_lhs_hint = false} : vector<8x1536xbf16>, vector<1536x512xbf16>, vector<8x512xf32> -> vector<8x512xf32>
    %eq3A = arith.constant 0 : i32
    %eq3A_70 = arith.cmpi eq, %arg0, %eq3A : i32
    %convert_element_type3A_71 = arith.extui %eq3A_70 : i1 to i32
    %cond3A = arith.constant 0 : i32
    %cond3A_72 = arith.cmpi ne, %convert_element_type3A_71, %cond3A : i32
    scf.if %cond3A_72 {
      %get3A_82 = arith.constant 0 : index
      %get3A_83 = arith.constant 0 : index
      %get3A_84 = vector.load %arg5[%get3A_82, %get3A_83] : memref<8x512xf32, #tpu.memory_space<vmem>>, vector<8x512xf32>
      %add3A_85 = arith.addf %get3A_84, %dot_general3A_69 : vector<8x512xf32>
      %swap3A = arith.constant 0 : index
      %swap3A_86 = arith.constant 0 : index
      %swap3A_87 = vector.load %arg6[%swap3A, %swap3A_86] : memref<8x512xf32, #tpu.memory_space<vmem>>, vector<8x512xf32>
      tpu.vector_store %arg6[%swap3A, %swap3A_86], %add3A_85 {strides = array<i32>} : memref<8x512xf32, #tpu.memory_space<vmem>>, vector<8x512xf32>,
    } else {
    }
    %gt3A = arith.constant 0 : i32
    %gt3A_73 = arith.cmpi sgt, %arg0, %gt3A : i32
    %convert_element_type3A_74 = arith.extui %gt3A_73 : i1 to i32
    %cond3A_75 = arith.constant 0 : i32
    %cond3A_76 = arith.cmpi ne, %convert_element_type3A_74, %cond3A_75 : i32
    scf.if %cond3A_76 {
      %get3A_82 = arith.constant 0 : index
      %get3A_83 = arith.constant 0 : index
      %get3A_84 = vector.load %arg6[%get3A_82, %get3A_83] : memref<8x512xf32, #tpu.memory_space<vmem>>, vector<8x512xf32>
      %add3A_85 = arith.addf %get3A_84, %dot_general3A_69 : vector<8x512xf32>
      %swap3A = arith.constant 0 : index
      %swap3A_86 = arith.constant 0 : index
      %swap3A_87 = vector.load %arg6[%swap3A, %swap3A_86] : memref<8x512xf32, #tpu.memory_space<vmem>>, vector<8x512xf32>
      tpu.vector_store %arg6[%swap3A, %swap3A_86], %add3A_85 {strides = array<i32>} : memref<8x512xf32, #tpu.memory_space<vmem>>, vector<8x512xf32>,
    } else {
    }
    %eq3A_77 = arith.constant 1 : i32
    %eq3A_78 = arith.cmpi eq, %arg0, %eq3A_77 : i32
    %convert_element_type3A_79 = arith.extui %eq3A_78 : i1 to i32
    %cond3A_80 = arith.constant 0 : i32
    %cond3A_81 = arith.cmpi ne, %convert_element_type3A_79, %cond3A_80 : i32
    scf.if %cond3A_81 {
      %get3A_82 = arith.constant 1 : index
      %get3A_83 = memref.load %arg1[%get3A_82] : memref<9xi32, #tpu.memory_space<smem>>
      %get3A_84 = arith.constant 0 : index
      %get3A_85 = memref.load %arg1[%get3A_84] : memref<9xi32, #tpu.memory_space<smem>>
      %sub3A = arith.subi %get3A_83, %get3A_85 : i32
      %broadcast_in_dim3A_86 = vector.broadcast %sub3A : i32 to vector<1x1xi32>
      %get3A_87 = arith.constant 2 : index
      %get3A_88 = memref.load %arg1[%get3A_87] : memref<9xi32, #tpu.memory_space<smem>>
      %get3A_89 = arith.constant 1 : index
      %get3A_90 = memref.load %arg1[%get3A_89] : memref<9xi32, #tpu.memory_space<smem>>
      %sub3A_91 = arith.subi %get3A_88, %get3A_90 : i32
      %broadcast_in_dim3A_92 = vector.broadcast %sub3A_91 : i32 to vector<1x1xi32>
      %get3A_93 = arith.constant 3 : index
      %get3A_94 = memref.load %arg1[%get3A_93] : memref<9xi32, #tpu.memory_space<smem>>
      %get3A_95 = arith.constant 2 : index
      %get3A_96 = memref.load %arg1[%get3A_95] : memref<9xi32, #tpu.memory_space<smem>>
      %sub3A_97 = arith.subi %get3A_94, %get3A_96 : i32
      %broadcast_in_dim3A_98 = vector.broadcast %sub3A_97 : i32 to vector<1x1xi32>
      %get3A_99 = arith.constant 4 : index
      %get3A_100 = memref.load %arg1[%get3A_99] : memref<9xi32, #tpu.memory_space<smem>>
      %get3A_101 = arith.constant 3 : index
      %get3A_102 = memref.load %arg1[%get3A_101] : memref<9xi32, #tpu.memory_space<smem>>
      %sub3A_103 = arith.subi %get3A_100, %get3A_102 : i32
      %broadcast_in_dim3A_104 = vector.broadcast %sub3A_103 : i32 to vector<1x1xi32>
      %get3A_105 = arith.constant 5 : index
      %get3A_106 = memref.load %arg1[%get3A_105] : memref<9xi32, #tpu.memory_space<smem>>
      %get3A_107 = arith.constant 4 : index
      %get3A_108 = memref.load %arg1[%get3A_107] : memref<9xi32, #tpu.memory_space<smem>>
      %sub3A_109 = arith.subi %get3A_106, %get3A_108 : i32
      %broadcast_in_dim3A_110 = vector.broadcast %sub3A_109 : i32 to vector<1x1xi32>
      %get3A_111 = arith.constant 6 : index
      %get3A_112 = memref.load %arg1[%get3A_111] : memref<9xi32, #tpu.memory_space<smem>>
      %get3A_113 = arith.constant 5 : index
      %get3A_114 = memref.load %arg1[%get3A_113] : memref<9xi32, #tpu.memory_space<smem>>
      %sub3A_115 = arith.subi %get3A_112, %get3A_114 : i32
      %broadcast_in_dim3A_116 = vector.broadcast %sub3A_115 : i32 to vector<1x1xi32>
      %get3A_117 = arith.constant 7 : index
      %get3A_118 = memref.load %arg1[%get3A_117] : memref<9xi32, #tpu.memory_space<smem>>
      %get3A_119 = arith.constant 6 : index
      %get3A_120 = memref.load %arg1[%get3A_119] : memref<9xi32, #tpu.memory_space<smem>>
      %sub3A_121 = arith.subi %get3A_118, %get3A_120 : i32
      %broadcast_in_dim3A_122 = vector.broadcast %sub3A_121 : i32 to vector<1x1xi32>
      %get3A_123 = arith.constant 8 : index
      %get3A_124 = memref.load %arg1[%get3A_123] : memref<9xi32, #tpu.memory_space<smem>>
      %get3A_125 = arith.constant 7 : index
      %get3A_126 = memref.load %arg1[%get3A_125] : memref<9xi32, #tpu.memory_space<smem>>
      %sub3A_127 = arith.subi %get3A_124, %get3A_126 : i32
      %broadcast_in_dim3A_128 = vector.broadcast %sub3A_127 : i32 to vector<1x1xi32>
      %concatenate3A_129 = tpu.concatenate %broadcast_in_dim3A_86, %broadcast_in_dim3A_92, %broadcast_in_dim3A_98, %broadcast_in_dim3A_104, %broadcast_in_dim3A_110, %broadcast_in_dim3A_116, %broadcast_in_dim3A_122, %broadcast_in_dim3A_128 in 0 : vector<1x1xi32>, vector<1x1xi32>, vector<1x1xi32>, vector<1x1xi32>, vector<1x1xi32>, vector<1x1xi32>, vector<1x1xi32>, vector<1x1xi32> -> vector<8x1xi32>
      %convert_element_type3A_130 = arith.sitofp %concatenate3A_129 : vector<8x1xi32> to vector<8x1xf32>
      %max3A = arith.constant 1.000000e+00 : f32
      %max3A_131 = vector.broadcast %max3A : f32 to vector<8x1xf32>
      %max3A_132 = arith.maximumf %convert_element_type3A_130, %max3A_131 : vector<8x1xf32>
      %get3A_133 = arith.constant 0 : index
      %get3A_134 = arith.constant 0 : index
      %get3A_135 = vector.load %arg6[%get3A_133, %get3A_134] : memref<8x512xf32, #tpu.memory_space<vmem>>, vector<8x512xf32>
      %div3A = vector.broadcast %max3A_132 : vector<8x1xf32> to vector<8x512xf32>
      %div3A_136 = arith.divf %get3A_135, %div3A : vector<8x512xf32>
      %swap3A = arith.constant 0 : index
      %swap3A_137 = arith.constant 0 : index
      %swap3A_138 = vector.load %arg6[%swap3A, %swap3A_137] : memref<8x512xf32, #tpu.memory_space<vmem>>, vector<8x512xf32>
      tpu.vector_store %arg6[%swap3A, %swap3A_137], %div3A_136 {strides = array<i32>} : memref<8x512xf32, #tpu.memory_space<vmem>>, vector<8x512xf32>,
    } else {
    }
    return
  }
  func.func @transform_0(%arg0: i32) -> i32 {
    %c0_i32 = arith.constant 0 : i32
    %c0_i32_0 = arith.constant 0 : i32
    return %c0_i32 : i32
  }
  func.func @transform_1(%arg0: i32) -> (i32, i32) {
    %c0_i32 = arith.constant 0 : i32
    %c0_i32_0 = arith.constant 0 : i32
    return %arg0, %c0_i32 : i32, i32
  }
  func.func @transform_2(%arg0: i32) -> (i32, i32) {
    %c0_i32 = arith.constant 0 : i32
    %c0_i32_0 = arith.constant 0 : i32
    %c0_i32_1 = arith.constant 0 : i32
    return %c0_i32, %c0_i32_0 : i32, i32
  }
  func.func @transform_3(%arg0: i32) -> (i32, i32) {
    %c0_i32 = arith.constant 0 : i32
    %c0_i32_0 = arith.constant 0 : i32
    %c0_i32_1 = arith.constant 0 : i32
    return %c0_i32, %c0_i32_0 : i32, i32
  }
  func.func @transform_4(%arg0: i32) -> (i32, i32) {
    %c0_i32 = arith.constant 0 : i32
    %c0_i32_0 = arith.constant 0 : i32
    %c0_i32_1 = arith.constant 0 : i32
    return %c0_i32, %c0_i32_0 : i32, i32
  }
  func.func @transform_5(%arg0: i32) -> (i32, i32) {
    %c0_i32 = arith.constant 0 : i32
    %c0_i32_0 = arith.constant 0 : i32
    %c0_i32_1 = arith.constant 0 : i32
    return %c0_i32, %c0_i32_0 : i32, i32
  }
}

</mosaic_0001>

<sc_bundles>
// kernel: kernel.6.cloned.1.call-start
scs
__scs_entry_jumppad:
0x0: {  	(pc) =	sbr.rel $0x88, $3  }
0x1: {  	(tag) =	ssettag $0x0;
	lr =	simm.s32 $0x1  }
0x2: {  	[smem:$0x3F9C] =	sst lr;
	_ =	strace $0xD0000000  }
0x3: {  	_ = 	snop  }
0x4: {  	_ = 	snop  }
0x5: {  	_ = 	snop  }
0x6: {  	_ = 	snop  }
0x7: {  	_ = 	snop  }
__scs_overlays_trampoline_lowered:
0x8: {  	[smem:$0x3FAB] =	sst s0  }
0x9: {  	[smem:$0x3FAC] =	sst s1  }
0xa: {  	[smem:$0x3FAD] =	sst s2  }
0xb: {  	[smem:$0x3FAE] =	sst s3  }
0xc: {  	[smem:$0x3FAF] =	sst s4  }
0xd: {  	[smem:$0x3FB0] =	sst s5  }
0xe: {  	[smem:$0x3FB1] =	sst s6  }
0xf: {  	[smem:$0x3FB2] =	sst s7  }
0x10: {  	[smem:$0x3FB3] =	sst s8  }
0x11: {  	[smem:$0x3FB4] =	sst s9;
	s0 =	simm.s32 @!p0 $0x0  }
0x12: {  	s1 =	sld [smem:$0x3F9A];
	s0 =	simm.s32 @p0 $0x1  }
0x13: {  	[smem:$0x3FB5] =	sst s0;
	s0 =	simm.s32 @!p1 $0x0  }
0x14: {  	s2 =	sld [smem:$0x3F99];
	s0 =	simm.s32 @p1 $0x1  }
0x15: {  	[smem:$0x3FB6] =	sst s0;
	s0 =	simm.s32 @!p2 $0x0  }
0x16: {  	s3 =	sld [smem:$0x3FDB];
	s0 =	simm.s32 @p2 $0x1  }
0x17: {  	s4 =	simm.s32 $0x1BF5;
	[smem:$0x3FB8] =	sst s0  }
0x18: {  	s0 =	sld [smem:$0x3F9B];
	_ =	swait.ge [sflag:s4], $0x0  }
0x19: {  	s7 =	sld [smem:$0x3F9C]  }
0x1a: {  	s8 =	sadd.s32 $0xFFFFE003, lr  }
0x1b: {  	s9 =	sadd.s32 $0xFFFFFEF7, lr;
	s5 =	simm.s32 $0xFFFFFFFF;
	p2 =	slt.u32 s8, $0xFFFFF086  }
0x1c: {  	p1 =	slt.u32 s9, $0xF7A;
	s5 =	simm.s32 @!p2 $0x0  }
0x1d: {  	s5 =	simm.s32 @p1 $0x1;
	p0 =	seq.s32 s7, s2  }
0x1e: {  	s7 =	smul.u32 @!p0 $0xF7A, s2;
	p2 =	seq.s32 @!p0 s5, $0x0  }
0x1f: {  	s9 =	smul.u32 $0xF7A, s1;
	s8 =	simm.s32 @!p0 $0x1BF5;
	p2 =	por !p2, p0  }
0x20: {  	[sflag:s8] =	ssyncset.s32 @!p0 $0xFFFFF086;
	s6 =	sadd.s32 @!p0 s3, s7;
	s7 =	simm.s32 @!p0 $0x108  }
0x21: {  	s3 =	sadd.s32 s3, s9;
	s6 =	sadd.s32 @!p0 $0x88, s6;
	s7 =	simm.s32 @p2 $0x1082  }
0x22: {  	[simem:s7], [sflag:s8] =	dma.local @!p0 [hbm:s6], $0xF7A  }
0x23: {  	s9 =	sor.u32 $0xD0000000, s2;
	s6 =	simm.s32 $0x108;
	_ =	swait.ge @!p0 [sflag:s8], $0x0  }
0x24: {  	s3 =	sadd.s32 $0x88, s3;
	s6 =	simm.s32 @!p1 $0x1082;
	[sflag:s4] =	ssyncset.s32 $0xFFFFF086  }
0x25: {  	[simem:s6], [sflag:s4] =	dma.local [hbm:s3], $0xF7A  }
0x26: {  	[smem:$0x3F9C] =	sst s1;
	(tag) =	ssettag s2;
	_ =	strace s9  }
0x27: {  	s1 =	sld [smem:$0x3FAC]  }
0x28: {  	s2 =	sld [smem:$0x3FAD]  }
0x29: {  	s4 =	sld [smem:$0x3FAF]  }
0x2a: {  	p0 =	seq.s32 s5, $0x0;
	s5 =	sld [smem:$0x3FB0]  }
0x2b: {  	s6 =	sld [smem:$0x3FB1]  }
0x2c: {  	s7 =	sld [smem:$0x3FB2]  }
0x2d: {  	s3 =	simm.s32 $0x108;
	s8 =	sld [smem:$0x3FB3]  }
0x2e: {  	s3 =	simm.s32 @!p0 $0x1082;
	s9 =	sld [smem:$0x3FB4]  }
0x2f: {  	lr =	sadd.s32 s0, s3;
	s0 =	sld [smem:$0x3FAB]  }
0x30: {  	s3 =	sld [smem:$0x3FAE]  }
0x31: {  	[smem:$0x3FB7] =	sst s10  }
0x32: {  	s10 =	sld [smem:$0x3FB5];
	_ =	sdelay $0x3  }
0x33: {  	p0 =	seq.s32 s10, $0x1;
	s10 =	sld [smem:$0x3FB7];
	_ =	sdelay $0x3  }
0x34: {  	[smem:$0x3FB7] =	sst s10  }
0x35: {  	s10 =	sld [smem:$0x3FB6];
	_ =	sdelay $0x3  }
0x36: {  	p1 =	seq.s32 s10, $0x1;
	s10 =	sld [smem:$0x3FB7];
	_ =	sdelay $0x3  }
0x37: {  	[smem:$0x3FB7] =	sst s10  }
0x38: {  	s10 =	sld [smem:$0x3FB8]  }
0x39: {  	_ = 	snop;
	(pc) =	sbr.ind lr, $3  }
0x3a: {  	_ = 	snop  }
0x3b: {  	_ = 	snop  }
0x3c: {  	p2 =	seq.s32 s10, $0x1;
	s10 =	sld [smem:$0x3FB7]  }
0x3d: {  	_ =	shalt  }
0x3e: {  	_ =	shalt  }
0x3f: {  	_ =	shalt  }
0x40: {  	_ =	shalt  }
0x41: {  	_ =	shalt  }
0x42: {  	_ =	shalt  }
0x43: {  	_ =	shalt  }
0x44: {  	_ =	shalt  }
0x45: {  	_ =	shalt  }
0x46: {  	_ =	shalt  }
0x47: {  	_ =	shalt  }
0x48: {  	_ =	shalt  }
0x49: {  	_ =	shalt  }
0x4a: {  	_ =	shalt  }
0x4b: {  	_ =	shalt  }
0x4c: {  	_ =	shalt  }
0x4d: {  	_ =	shalt  }
0x4e: {  	_ =	shalt  }
0x4f: {  	_ =	shalt  }
0x50: {  	_ =	shalt  }
0x51: {  	_ =	shalt  }
0x52: {  	_ =	shalt  }
0x53: {  	_ =	shalt  }
0x54: {  	_ =	shalt  }
0x55: {  	_ =	shalt  }
0x56: {  	_ =	shalt  }
0x57: {  	_ =	shalt  }
0x58: {  	_ =	shalt  }
0x59: {  	_ =	shalt  }
0x5a: {  	_ =	shalt  }
0x5b: {  	_ =	shalt  }
0x5c: {  	_ =	shalt  }
0x5d: {  	_ =	shalt  }
0x5e: {  	_ =	shalt  }
0x5f: {  	_ =	shalt  }
0x60: {  	_ =	shalt  }
0x61: {  	_ =	shalt  }
0x62: {  	_ =	shalt  }
0x63: {  	_ =	shalt  }
0x64: {  	_ =	shalt  }
0x65: {  	_ =	shalt  }
0x66: {  	_ =	shalt  }
0x67: {  	_ =	shalt  }
0x68: {  	_ =	shalt  }
0x69: {  	_ =	shalt  }
0x6a: {  	_ =	shalt  }
0x6b: {  	_ =	shalt  }
0x6c: {  	_ =	shalt  }
0x6d: {  	_ =	shalt  }
0x6e: {  	_ =	shalt  }
0x6f: {  	_ =	shalt  }
0x70: {  	_ =	shalt  }
0x71: {  	_ =	shalt  }
0x72: {  	_ =	shalt  }
0x73: {  	_ =	shalt  }
0x74: {  	_ =	shalt  }
0x75: {  	_ =	shalt  }
0x76: {  	_ =	shalt  }
0x77: {  	_ =	shalt  }
0x78: {  	_ =	shalt  }
0x79: {  	_ =	shalt  }
0x7a: {  	_ =	shalt  }
0x7b: {  	_ =	shalt  }
0x7c: {  	_ =	shalt  }
0x7d: {  	_ =	shalt  }
0x7e: {  	_ =	shalt  }
0x7f: {  	_ =	shalt  }
0x80: {  	_ =	shalt  }
0x81: {  	_ =	shalt  }
0x82: {  	_ =	shalt  }
0x83: {  	_ =	shalt  }
0x84: {  	_ =	shalt  }
0x85: {  	_ =	shalt  }
0x86: {  	_ =	shalt  }
0x87: {  	_ =	shalt  }
.Lfunc_end0:
.L_simem_size_0:
called_computation_lowered:
.L_overlay_start_0:
0x88: {  	s2 =	sld [smem:$0x3FD9]  }
0x89: {  	s3 =	sld [smem:$0x3FFE];
	_ =	sdelay $0x1  }
0x8a: {  	s1 =	srdreg.scid  }
0x8b: {  	s0 =	sand.u32 $0x1, s1  }
0x8c: {  	s17 =	sshll.u32 s0, $0xA;
	s2 =	sadd.s32 s3, s2  }
0x8d: {  	s2 =	sadd.s32 s2, s17  }
0x8e: {  	[smem:$0x3FC3] =	sst s2  }
0x8f: {  	_ = 	snop  }
0x90: {  	s2 =	sld [smem:$0x3FC9]  }
0x91: {  	s18 =	sld [smem:$0x3FC7];
	(tm) =	ssettm $0x1  }
0x92: {  	s4 =	sld [smem:$0x3FFB];
	_ =	sdelay $0x3  }
0x93: {  	_ =	strace s4  }
0x94: {  	s4 =	sld [smem:$0x3FFC];
	_ =	sdelay $0x3  }
0x95: {  	_ =	strace s4  }
0x96: {  	s4 =	sld [smem:$0x3FFD];
	_ =	sdelay $0x3  }
0x97: {  	_ =	strace s4  }
0x98: {  	_ =	strace $0x8FFFFFFF  }
0x99: {  	s19 =	sld [smem:$0x3FDB];
	_ =	sdelay $0x1  }
0x9a: {  	s5 =	simm.s32 $_scs_section_size  }
0x9b: {  	s6 =	simm.s32 $_size__tile_overlayer_lowered;
	s7 =	simm.s32 $_tile_overlayer_lowered  }
0x9c: {  	s22 =	simm.s32 $0x1BFF;
	s21 =	sshll.u32 s7, $0x1;
	s4 =	sadd.s32 s5, s19  }
0x9d: {  	s8 =	simm.s32 $0x0;
	s20 =	sshll.u32 s6, $0x1;
	s6 =	sadd.s32 s21, s4  }
0x9e: {  	[timem:s8], [sflag:s22] =	dma.local [hbm:s6], s20  }
0x9f: {  	_ =	swait.ge [sflag:s22], s20  }
0xa0: {  	s5 =	ssub.s32 $0x0, s20;
	[sflag:s22] =	ssyncset.done $0x0  }
0xa1: {  	[sflag:s22] =	ssyncadd.s32 s5;
	_ =	sdelay $0x1  }
0xa2: {  	s23 =	simm.s32 $0x1B8B  }
0xa3: {  	_ =	swait.ge [sflag:s23], $0x1  }
0xa4: {  	[sflag:s23] =	ssyncset.done $0x0  }
0xa5: {  	s25 =	simm.s32 $0x1B8E;
	s24 =	sld [smem:$0x3FFE];
	[sflag:s23] =	ssyncadd.s32 $0xFFFFFFFF  }
0xa6: {  	s26 =	simm.s32 $execute0_lowered;
	[smem:$0x3FD2] =	sst s25  }
0xa7: {  	s6 =	sshll.u32 s26, $0x1;
	_ =	strace $0x80000046;
	[dreg:$0x1] =	wrdreg $0xFFFFFFFF  }
0xa8: {  	s28 =	simm.s32 $_size_execute0_lowered;
	s4 =	sadd.s32 s4, s6;
	[dreg:$0x0] =	wrdreg $0x0  }
0xa9: {  	s6 =	sshll.u32 s28, $0x1;
	[dreg:$0x2] =	wrdreg s4  }
0xaa: {  	[dreg:$0x3] =	wrdreg s6  }
0xab: {  	[dreg:$0x4] =	wrdreg $0xC0  }
0xac: {  	_ =	task [dreg:s8], $0x5FFFF  }
0xad: {  	[dreg:$0x1] =	wrdreg $0xFFFFFFFF  }
0xae: {  	[dreg:$0x0] =	wrdreg $0x60  }
0xaf: {  	[dreg:$0x2] =	wrdreg s18  }
0xb0: {  	[dreg:$0x3] =	wrdreg s2  }
0xb1: {  	[dreg:$0x4] =	wrdreg s24  }
0xb2: {  	[dreg:$0x5] =	wrdreg $0x9  }
0xb3: {  	_ =	task.clear_ibuf [dreg:s8], $0x6FFFF;
	_ =	strace $0x90000046  }
0xb4: {  	s29 =	simm.s32 $0x9;
	_ =	strace $0x80000048  }
0xb5: {  	_ =	swait.ge [sflag:s29], $0x1  }
0xb6: {  	[sflag:s29] =	ssyncadd.s32 $0xFFFFFFFF  }
0xb7: {  	_ =	strace $0x90000048  }
0xb8: {  	_ =	sfence  }
0xb9: {  	s30 =	sld [smem:$0x0];
	_ =	sdelay $0x2  }
0xba: {  	s31 =	sshll.u32 s1, $0xD;
	s1 =	sshrl.u32 s1, $0x2  }
0xbb: {  	s3 =	sand.u32 $0x4000, s31;
	s1 =	sadd.s32 s1, s30  }
0xbc: {  	s0 =	sor.u32 s3, s0;
	s1 =	sshll.u32 s1, $0x11  }
0xbd: {  	s0 =	sor.u32 s1, s0  }
0xbe: {  	s0 =	sadd.s32 $0x8F2B, s0  }
0xbf: {  	[sflag:s0] =	ssyncadd.remote.s32 $0x1  }
0xc0: {  	_ =	sfence.sel $0xFFFF  }
0xc1: {  	[dreg:$0x0] =	wrdreg $0xFFFFFFFF;
	(pc) =	sbr.abs _section_cstart, $3  }
0xc2: {  	[dreg:$0x1] =	wrdreg $0xFFFFFFFF  }
0xc3: {  	_ =	task.clear_ibuf [dreg:s8], $0x2FFFF;
	_ =	strace $0x9FFFFFFF  }
0xc4: {  	(tm) =	ssettm $0x7FFFFFFF  }
0xc5: {  	_ =	shalt  }
tec
execute0_lowered:
.L_overlay_start_1:
0x0: {  	(tag) =	ssettag $0x1  }
0x1: {  	s1 =	rddreg [dreg:$0x0]  }
0x2: {  	s4 =	rddreg [dreg:$0x1];
	s2 =	srdreg.scid  }
0x3: {  	s0 =	stileid.u32;
	s5 =	rddreg [dreg:$0x2];
	s3 =	simm.s32 $0x0  }
0x4: {  	s12 =	simm.s32 $0x3;
	s13 =	simm.s32 $0x100;
	s14 =	simm.s32 $0x900  }
0x5: {  	s15 =	simm.s32 $0x1100;
	s16 =	simm.s32 $0x1900;
	s17 =	simm.s32 $0x2100  }
0x6: {  	s18 =	simm.s32 $0x2900;
	s19 =	simm.s32 $0x3100;
	s20 =	simm.s32 $0x3900  }
0x7: {  	s21 =	simm.s32 $0x4100;
	s22 =	simm.s32 $0x4900;
	s23 =	simm.s32 $0x5100  }
0x8: {  	s24 =	simm.s32 $0x5900;
	s28 =	simm.s32 $0x7100;
	s29 =	simm.s32 $0x7900  }
0x9: {  	s30 =	simm.s32 $0x1;
	s6 =	sand.u32 $0x1, s2;
	s7 =	sshll.u32 s0, $0x1  }
0xa: {  	s31 =	simm.s32 $0x2;
	s2 =	rddreg [dreg:$0x3];
	s7 =	sor.u32 s6, s7  }
0xb: {  	[smem:$0x7FF] =	sst s3;
	s10 =	sadd.s32 $0x1200, s5;
	s8 =	smul.u32 $0x14, s7  }
0xc: {  	s5 =	sadd.s32 $0x100, s1;
	s6 =	ssub.s32 $0x2, s6;
	s9 =	smul.u32 $0x14000, s7  }
0xd: {  	_ =	strace $0x80000047;
	s25 =	sshrl.u32 s6, $0x1;
	s7 =	smul.u32 $0x2800, s7  }
0xe: {  	s11 =	ssub.s32 s6, s25;
	s25 =	simm.s32 $0x6100;
	s26 =	sshrl.u32 s9, $0x3  }
0xf: {  	v2 =	vlaneseq.u32;
	s4 =	sadd.s32 s4, s8;
	s6 =	sadd.s32 s10, s7;
	s10 =	sadd.s32 s10, s26  }
0x10: {  	vm0 =	vmmov $0xffff;
	v1 =	vshrl.u32 v2, $0x3;
	s11 =	smax.u32 s11, $0x1;
	s26 =	simm.s32 $0x6900;
	s7 =	sadd.s32 $0x800, s10  }
0x11: {  	v0 =	vand.u32 $0x7, v2;
	v2 =	vor.u32 $0x8, v2;
	v1 =	vmul.u32 $0x8, v1;
	s8 =	sadd.s32 $0x1000, s10;
	s9 =	sadd.s32 $0x1800, s10;
	s10 =	sadd.s32 $0x2000, s10  }
.LBB2_1:
0x12: {  	[tilespmem:s3], [sflag:$0x3] =	stream.linear.gather [hbm4b:s4+s3], $0xA0, $0x38;
	[tilespmem:$0x8100] =	vst v63  }
0x13: {  	_ =	swait.ge [sflag:s12], $0xA0  }
0x14: {  	[sflag:s12] =	ssyncset.done $0x0  }
0x15: {  	[sflag:s12] =	ssyncadd.s32 $0xFFFFFF60  }
0x16: {  	v3 =	vld [tilespmem:$0x0];
	_ =	sdelay $0x4  }
0x17: {  	v4 =	vshll.u32 v3, $0x2  }
0x18: {  	v3 =	vand.u32 $0x7, v3;
	v4 =	vand.u32 $0xFFFFFFE0, v4  }
0x19: {  	v3 =	vor.u32 v3, v4  }
0x1a: {  	v4 =	vperm.xlane v3, v0;
	_ =	sdelay $0x1  }
0x1b: {  	v4 =	vadd.s32 v1, v4;
	_ =	sdelay $0x1  }
0x1c: {  	v3 =	vperm.xlane v3, v2;
	_ =	sdelay $0x1  }
0x1d: {  	v3 =	vadd.s32 v1, v3  }
0x1e: {  	[tilespmem:s13], [sflag:$0x1] =	stream.indirect_vreg.gather [hbm4b:s1+s3], $0x80, v4, vm0, $0xb8;
	[tilespmem:$0x8100] =	vst v63  }
0x1f: {  	_ = 	snop  }
0x20: {  	[tilespmem:s14], [sflag:$0x1] =	stream.indirect_vreg.gather [hbm4b:s5+s3], $0x80, v4, vm0, $0xb8;
	[tilespmem:$0x8100] =	vst v63  }
0x21: {  	_ = 	snop  }
0x22: {  	[tilespmem:s15], [sflag:$0x1] =	stream.indirect_vreg.gather [hbm4b:s1+s3], $0x80, v3, vm0, $0xb8;
	[tilespmem:$0x8100] =	vst v63  }
0x23: {  	_ = 	snop  }
0x24: {  	[tilespmem:s16], [sflag:$0x1] =	stream.indirect_vreg.gather [hbm4b:s5+s3], $0x80, v3, vm0, $0xb8;
	[tilespmem:$0x8100] =	vst v63  }
0x25: {  	v3 =	vld [tilespmem:$0x10];
	_ =	sdelay $0x4  }
0x26: {  	v55 =	vshll.u32 v3, $0x2  }
0x27: {  	v3 =	vand.u32 $0x7, v3;
	v4 =	vand.u32 $0xFFFFFFE0, v55  }
0x28: {  	v3 =	vor.u32 v3, v4  }
0x29: {  	v4 =	vperm.xlane v3, v0;
	_ =	sdelay $0x1  }
0x2a: {  	v4 =	vadd.s32 v1, v4;
	_ =	sdelay $0x1  }
0x2b: {  	v3 =	vperm.xlane v3, v2;
	_ =	sdelay $0x1  }
0x2c: {  	v3 =	vadd.s32 v1, v3  }
0x2d: {  	[tilespmem:s17], [sflag:$0x1] =	stream.indirect_vreg.gather [hbm4b:s1+s3], $0x80, v4, vm0, $0xb8;
	[tilespmem:$0x8100] =	vst v63  }
0x2e: {  	_ = 	snop  }
0x2f: {  	[tilespmem:s18], [sflag:$0x1] =	stream.indirect_vreg.gather [hbm4b:s5+s3], $0x80, v4, vm0, $0xb8;
	[tilespmem:$0x8100] =	vst v63  }
0x30: {  	_ = 	snop  }
0x31: {  	[tilespmem:s19], [sflag:$0x1] =	stream.indirect_vreg.gather [hbm4b:s1+s3], $0x80, v3, vm0, $0xb8;
	[tilespmem:$0x8100] =	vst v63  }
0x32: {  	_ = 	snop  }
0x33: {  	[tilespmem:s20], [sflag:$0x1] =	stream.indirect_vreg.gather [hbm4b:s5+s3], $0x80, v3, vm0, $0xb8;
	[tilespmem:$0x8100] =	vst v63  }
0x34: {  	v3 =	vld [tilespmem:$0x20];
	_ =	sdelay $0x4  }
0x35: {  	v56 =	vshll.u32 v3, $0x2  }
0x36: {  	v3 =	vand.u32 $0x7, v3;
	v4 =	vand.u32 $0xFFFFFFE0, v56  }
0x37: {  	v3 =	vor.u32 v3, v4  }
0x38: {  	v4 =	vperm.xlane v3, v0;
	_ =	sdelay $0x1  }
0x39: {  	v4 =	vadd.s32 v1, v4;
	_ =	sdelay $0x1  }
0x3a: {  	v3 =	vperm.xlane v3, v2;
	_ =	sdelay $0x1  }
0x3b: {  	v3 =	vadd.s32 v1, v3  }
0x3c: {  	[tilespmem:s21], [sflag:$0x2] =	stream.indirect_vreg.gather [hbm4b:s1+s3], $0x80, v4, vm0, $0xb8;
	[tilespmem:$0x8100] =	vst v63  }
0x3d: {  	_ = 	snop  }
0x3e: {  	[tilespmem:s22], [sflag:$0x2] =	stream.indirect_vreg.gather [hbm4b:s5+s3], $0x80, v4, vm0, $0xb8;
	[tilespmem:$0x8100] =	vst v63  }
0x3f: {  	_ = 	snop  }
0x40: {  	[tilespmem:s23], [sflag:$0x2] =	stream.indirect_vreg.gather [hbm4b:s1+s3], $0x80, v3, vm0, $0xb8;
	[tilespmem:$0x8100] =	vst v63  }
0x41: {  	_ = 	snop  }
0x42: {  	[tilespmem:s24], [sflag:$0x2] =	stream.indirect_vreg.gather [hbm4b:s5+s3], $0x80, v3, vm0, $0xb8;
	[tilespmem:$0x8100] =	vst v63  }
0x43: {  	v3 =	vld [tilespmem:$0x30];
	_ =	sdelay $0x4  }
0x44: {  	v57 =	vshll.u32 v3, $0x2  }
0x45: {  	v3 =	vand.u32 $0x7, v3;
	v4 =	vand.u32 $0xFFFFFFE0, v57  }
0x46: {  	v3 =	vor.u32 v3, v4  }
0x47: {  	v4 =	vperm.xlane v3, v0;
	_ =	sdelay $0x1  }
0x48: {  	v4 =	vadd.s32 v1, v4;
	_ =	sdelay $0x1  }
0x49: {  	v3 =	vperm.xlane v3, v2;
	_ =	sdelay $0x1  }
0x4a: {  	v3 =	vadd.s32 v1, v3  }
0x4b: {  	[tilespmem:s25], [sflag:$0x2] =	stream.indirect_vreg.gather [hbm4b:s1+s3], $0x80, v4, vm0, $0xb8;
	[tilespmem:$0x8100] =	vst v63  }
0x4c: {  	_ = 	snop  }
0x4d: {  	[tilespmem:s26], [sflag:$0x2] =	stream.indirect_vreg.gather [hbm4b:s5+s3], $0x80, v4, vm0, $0xb8;
	[tilespmem:$0x8100] =	vst v63  }
0x4e: {  	_ = 	snop  }
0x4f: {  	[tilespmem:s28], [sflag:$0x2] =	stream.indirect_vreg.gather [hbm4b:s1+s3], $0x80, v3, vm0, $0xb8;
	[tilespmem:$0x8100] =	vst v63  }
0x50: {  	_ = 	snop  }
0x51: {  	[tilespmem:s29], [sflag:$0x2] =	stream.indirect_vreg.gather [hbm4b:s5+s3], $0x80, v3, vm0, $0xb8;
	[tilespmem:$0x8100] =	vst v63  }
0x52: {  	_ =	swait.ge [sflag:s30], $0x4000  }
0x53: {  	[sflag:s30] =	ssyncset.done $0x0  }
0x54: {  	[sflag:s30] =	ssyncadd.s32 $0xFFFFC000  }
0x55: {  	[hbm4b:s6+s3] =	stream.linear.scatter [tilespmem:s13], [sflag:$0x3], $0x4000, $0x38;
	[tilespmem:$0x8100] =	vst v63  }
0x56: {  	_ =	swait.ge [sflag:s12], $0x4000  }
0x57: {  	[sflag:s12] =	ssyncset.done $0x0  }
0x58: {  	[sflag:s12] =	ssyncadd.s32 $0xFFFFC000  }
0x59: {  	v3 =	vld [tilespmem:$0x40];
	_ =	sdelay $0x4  }
0x5a: {  	v58 =	vshll.u32 v3, $0x2  }
0x5b: {  	v3 =	vand.u32 $0x7, v3;
	v4 =	vand.u32 $0xFFFFFFE0, v58  }
0x5c: {  	v3 =	vor.u32 v3, v4  }
0x5d: {  	v4 =	vperm.xlane v3, v0;
	_ =	sdelay $0x1  }
0x5e: {  	v4 =	vadd.s32 v1, v4;
	_ =	sdelay $0x1  }
0x5f: {  	v3 =	vperm.xlane v3, v2;
	_ =	sdelay $0x1  }
0x60: {  	v3 =	vadd.s32 v1, v3  }
0x61: {  	[tilespmem:s13], [sflag:$0x1] =	stream.indirect_vreg.gather [hbm4b:s1+s3], $0x80, v4, vm0, $0xb8;
	[tilespmem:$0x8100] =	vst v63  }
0x62: {  	_ = 	snop  }
0x63: {  	[tilespmem:s14], [sflag:$0x1] =	stream.indirect_vreg.gather [hbm4b:s5+s3], $0x80, v4, vm0, $0xb8;
	[tilespmem:$0x8100] =	vst v63  }
0x64: {  	_ = 	snop  }
0x65: {  	[tilespmem:s15], [sflag:$0x1] =	stream.indirect_vreg.gather [hbm4b:s1+s3], $0x80, v3, vm0, $0xb8;
	[tilespmem:$0x8100] =	vst v63  }
0x66: {  	_ = 	snop  }
0x67: {  	[tilespmem:s16], [sflag:$0x1] =	stream.indirect_vreg.gather [hbm4b:s5+s3], $0x80, v3, vm0, $0xb8;
	[tilespmem:$0x8100] =	vst v63  }
0x68: {  	v3 =	vld [tilespmem:$0x50];
	_ =	sdelay $0x4  }
0x69: {  	v59 =	vshll.u32 v3, $0x2  }
0x6a: {  	v3 =	vand.u32 $0x7, v3;
	v4 =	vand.u32 $0xFFFFFFE0, v59  }
0x6b: {  	v3 =	vor.u32 v3, v4  }
0x6c: {  	v4 =	vperm.xlane v3, v0;
	_ =	sdelay $0x1  }
0x6d: {  	v4 =	vadd.s32 v1, v4;
	_ =	sdelay $0x1  }
0x6e: {  	v3 =	vperm.xlane v3, v2;
	_ =	sdelay $0x1  }
0x6f: {  	v3 =	vadd.s32 v1, v3  }
0x70: {  	[tilespmem:s17], [sflag:$0x1] =	stream.indirect_vreg.gather [hbm4b:s1+s3], $0x80, v4, vm0, $0xb8;
	[tilespmem:$0x8100] =	vst v63  }
0x71: {  	_ = 	snop  }
0x72: {  	[tilespmem:s18], [sflag:$0x1] =	stream.indirect_vreg.gather [hbm4b:s5+s3], $0x80, v4, vm0, $0xb8;
	[tilespmem:$0x8100] =	vst v63  }
0x73: {  	_ = 	snop  }
0x74: {  	[tilespmem:s19], [sflag:$0x1] =	stream.indirect_vreg.gather [hbm4b:s1+s3], $0x80, v3, vm0, $0xb8;
	[tilespmem:$0x8100] =	vst v63  }
0x75: {  	_ = 	snop  }
0x76: {  	[tilespmem:s20], [sflag:$0x1] =	stream.indirect_vreg.gather [hbm4b:s5+s3], $0x80, v3, vm0, $0xb8;
	[tilespmem:$0x8100] =	vst v63  }
0x77: {  	_ =	swait.ge [sflag:s31], $0x4000  }
0x78: {  	[sflag:s31] =	ssyncset.done $0x0  }
0x79: {  	[sflag:s31] =	ssyncadd.s32 $0xFFFFC000  }
0x7a: {  	[hbm4b:s7+s3] =	stream.linear.scatter [tilespmem:s21], [sflag:$0x3], $0x4000, $0x38;
	[tilespmem:$0x8100] =	vst v63  }
0x7b: {  	_ =	swait.ge [sflag:s12], $0x4000  }
0x7c: {  	[sflag:s12] =	ssyncset.done $0x0  }
0x7d: {  	[sflag:s12] =	ssyncadd.s32 $0xFFFFC000  }
0x7e: {  	v3 =	vld [tilespmem:$0x60];
	_ =	sdelay $0x4  }
0x7f: {  	v60 =	vshll.u32 v3, $0x2  }
0x80: {  	v3 =	vand.u32 $0x7, v3;
	v4 =	vand.u32 $0xFFFFFFE0, v60  }
0x81: {  	v3 =	vor.u32 v3, v4  }
0x82: {  	v4 =	vperm.xlane v3, v0;
	_ =	sdelay $0x1  }
0x83: {  	v4 =	vadd.s32 v1, v4;
	_ =	sdelay $0x1  }
0x84: {  	v3 =	vperm.xlane v3, v2;
	_ =	sdelay $0x1  }
0x85: {  	v3 =	vadd.s32 v1, v3  }
0x86: {  	[tilespmem:s21], [sflag:$0x2] =	stream.indirect_vreg.gather [hbm4b:s1+s3], $0x80, v4, vm0, $0xb8;
	[tilespmem:$0x8100] =	vst v63  }
0x87: {  	_ = 	snop  }
0x88: {  	[tilespmem:s22], [sflag:$0x2] =	stream.indirect_vreg.gather [hbm4b:s5+s3], $0x80, v4, vm0, $0xb8;
	[tilespmem:$0x8100] =	vst v63  }
0x89: {  	_ = 	snop  }
0x8a: {  	[tilespmem:s23], [sflag:$0x2] =	stream.indirect_vreg.gather [hbm4b:s1+s3], $0x80, v3, vm0, $0xb8;
	[tilespmem:$0x8100] =	vst v63  }
0x8b: {  	_ = 	snop  }
0x8c: {  	[tilespmem:s24], [sflag:$0x2] =	stream.indirect_vreg.gather [hbm4b:s5+s3], $0x80, v3, vm0, $0xb8;
	[tilespmem:$0x8100] =	vst v63  }
0x8d: {  	v3 =	vld [tilespmem:$0x70];
	_ =	sdelay $0x4  }
0x8e: {  	v61 =	vshll.u32 v3, $0x2  }
0x8f: {  	v3 =	vand.u32 $0x7, v3;
	v4 =	vand.u32 $0xFFFFFFE0, v61  }
0x90: {  	v3 =	vor.u32 v3, v4  }
0x91: {  	v4 =	vperm.xlane v3, v0;
	_ =	sdelay $0x1  }
0x92: {  	v4 =	vadd.s32 v1, v4;
	_ =	sdelay $0x1  }
0x93: {  	v3 =	vperm.xlane v3, v2;
	_ =	sdelay $0x1  }
0x94: {  	v3 =	vadd.s32 v1, v3  }
0x95: {  	[tilespmem:s25], [sflag:$0x2] =	stream.indirect_vreg.gather [hbm4b:s1+s3], $0x80, v4, vm0, $0xb8;
	[tilespmem:$0x8100] =	vst v63  }
0x96: {  	_ = 	snop  }
0x97: {  	[tilespmem:s26], [sflag:$0x2] =	stream.indirect_vreg.gather [hbm4b:s5+s3], $0x80, v4, vm0, $0xb8;
	[tilespmem:$0x8100] =	vst v63  }
0x98: {  	_ = 	snop  }
0x99: {  	[tilespmem:s28], [sflag:$0x2] =	stream.indirect_vreg.gather [hbm4b:s1+s3], $0x80, v3, vm0, $0xb8;
	[tilespmem:$0x8100] =	vst v63  }
0x9a: {  	_ = 	snop  }
0x9b: {  	[tilespmem:s29], [sflag:$0x2] =	stream.indirect_vreg.gather [hbm4b:s5+s3], $0x80, v3, vm0, $0xb8;
	[tilespmem:$0x8100] =	vst v63  }
0x9c: {  	_ =	swait.ge [sflag:s30], $0x4000  }
0x9d: {  	[sflag:s30] =	ssyncset.done $0x0  }
0x9e: {  	[sflag:s30] =	ssyncadd.s32 $0xFFFFC000  }
0x9f: {  	[hbm4b:s8+s3] =	stream.linear.scatter [tilespmem:s13], [sflag:$0x3], $0x4000, $0x38;
	[tilespmem:$0x8100] =	vst v63  }
0xa0: {  	_ =	swait.ge [sflag:s12], $0x4000  }
0xa1: {  	[sflag:s12] =	ssyncset.done $0x0  }
0xa2: {  	[sflag:s12] =	ssyncadd.s32 $0xFFFFC000  }
0xa3: {  	v3 =	vld [tilespmem:$0x80];
	_ =	sdelay $0x4  }
0xa4: {  	v62 =	vshll.u32 v3, $0x2  }
0xa5: {  	v3 =	vand.u32 $0x7, v3;
	v4 =	vand.u32 $0xFFFFFFE0, v62  }
0xa6: {  	v3 =	vor.u32 v3, v4  }
0xa7: {  	v4 =	vperm.xlane v3, v0;
	_ =	sdelay $0x1  }
0xa8: {  	v4 =	vadd.s32 v1, v4;
	_ =	sdelay $0x1  }
0xa9: {  	v3 =	vperm.xlane v3, v2;
	_ =	sdelay $0x1  }
0xaa: {  	v3 =	vadd.s32 v1, v3  }
0xab: {  	[tilespmem:s13], [sflag:$0x1] =	stream.indirect_vreg.gather [hbm4b:s1+s3], $0x80, v4, vm0, $0xb8;
	[tilespmem:$0x8100] =	vst v63  }
0xac: {  	_ = 	snop  }
0xad: {  	[tilespmem:s14], [sflag:$0x1] =	stream.indirect_vreg.gather [hbm4b:s5+s3], $0x80, v4, vm0, $0xb8;
	[tilespmem:$0x8100] =	vst v63  }
0xae: {  	_ = 	snop  }
0xaf: {  	[tilespmem:s15], [sflag:$0x1] =	stream.indirect_vreg.gather [hbm4b:s1+s3], $0x80, v3, vm0, $0xb8;
	[tilespmem:$0x8100] =	vst v63  }
0xb0: {  	_ = 	snop  }
0xb1: {  	[tilespmem:s16], [sflag:$0x1] =	stream.indirect_vreg.gather [hbm4b:s5+s3], $0x80, v3, vm0, $0xb8;
	[tilespmem:$0x8100] =	vst v63  }
0xb2: {  	v3 =	vld [tilespmem:$0x90];
	_ =	sdelay $0x4  }
0xb3: {  	v63 =	vshll.u32 v3, $0x2  }
0xb4: {  	v3 =	vand.u32 $0x7, v3;
	v4 =	vand.u32 $0xFFFFFFE0, v63  }
0xb5: {  	v3 =	vor.u32 v3, v4  }
0xb6: {  	v4 =	vperm.xlane v3, v0;
	_ =	sdelay $0x1  }
0xb7: {  	v4 =	vadd.s32 v1, v4;
	_ =	sdelay $0x1  }
0xb8: {  	v3 =	vperm.xlane v3, v2;
	_ =	sdelay $0x1  }
0xb9: {  	v3 =	vadd.s32 v1, v3  }
0xba: {  	[tilespmem:s17], [sflag:$0x1] =	stream.indirect_vreg.gather [hbm4b:s1+s3], $0x80, v4, vm0, $0xb8;
	[tilespmem:$0x8100] =	vst v63  }
0xbb: {  	_ = 	snop  }
0xbc: {  	[tilespmem:s18], [sflag:$0x1] =	stream.indirect_vreg.gather [hbm4b:s5+s3], $0x80, v4, vm0, $0xb8;
	[tilespmem:$0x8100] =	vst v63  }
0xbd: {  	_ = 	snop  }
0xbe: {  	[tilespmem:s19], [sflag:$0x1] =	stream.indirect_vreg.gather [hbm4b:s1+s3], $0x80, v3, vm0, $0xb8;
	[tilespmem:$0x8100] =	vst v63  }
0xbf: {  	_ = 	snop  }
0xc0: {  	[tilespmem:s20], [sflag:$0x1] =	stream.indirect_vreg.gather [hbm4b:s5+s3], $0x80, v3, vm0, $0xb8;
	[tilespmem:$0x8100] =	vst v63  }
0xc1: {  	_ =	swait.ge [sflag:s31], $0x4000  }
0xc2: {  	[sflag:s31] =	ssyncset.done $0x0  }
0xc3: {  	[sflag:s31] =	ssyncadd.s32 $0xFFFFC000  }
0xc4: {  	[hbm4b:s9+s3] =	stream.linear.scatter [tilespmem:s21], [sflag:$0x3], $0x4000, $0x38;
	[tilespmem:$0x8100] =	vst v63  }
0xc5: {  	_ =	swait.ge [sflag:s12], $0x4000  }
0xc6: {  	[sflag:s12] =	ssyncset.done $0x0  }
0xc7: {  	[sflag:s12] =	ssyncadd.s32 $0xFFFFC000  }
0xc8: {  	_ =	swait.ge [sflag:s30], $0x4000  }
0xc9: {  	p0 =	sne.s32 s11, $0x1;
	[sflag:s30] =	ssyncset.done $0x0  }
.Ltmp0:
0xca: {  	[sflag:s30] =	ssyncadd.s32 $0xFFFFC000;
	(pc) =	sbr.rel @p0 .LBB2_1-.Ltmp0, $4  }
0xcb: {  	[hbm4b:s10+s3] =	stream.linear.scatter [tilespmem:s13], [sflag:$0x3], $0x4000, $0x38;
	[tilespmem:$0x8100] =	vst v63  }
0xcc: {  	_ =	swait.ge [sflag:s12], $0x4000  }
0xcd: {  	[sflag:s12] =	ssyncset.done $0x0  }
0xce: {  	s11 =	sadd.s32 $0xFFFFFFFF, s11;
	[sflag:s12] =	ssyncadd.s32 $0xFFFFC000  }
0xcf: {  	_ =	sfence.sel $0x180000  }
0xd0: {  	[bflag:$0x0] =	sbarrier.arrive $0xFFFF  }
0xd1: {  	p0 =	sne.s32 s0, $0x0;
	_ =	strace $0x90000047  }
0xd2: {  	s0 =	sadd.s32 @!p0 $0x100000, s2;
	[bflag:$0x2] =	sbarrier.arrive $0xFFFF  }
0xd3: {  	[sflag:s0] =	ssyncadd.tile.s32 @!p0 $0x1;
	_ =	shalt  }
.Lfunc_end2:
_tile_overlayer_lowered:
.L_overlay_start_2:
0xd4: {  	(tag) =	ssettag $0x2  }
0xd5: {  	s0 =	rddreg [dreg:$0x0];
	s2 =	stileid.u32  }
0xd6: {  	s1 =	rddreg [dreg:$0x1];
	p0 =	sne.s32 s2, $0x0  }
0xd7: {  	s3 =	rddreg [dreg:$0x2];
	[bflag:$0x3] =	sbarrier.arrive $0xFFFF;
	s2 =	simm.s32 @!p0 $0x1C03  }
0xd8: {  	[timem:s3], [sflag:s2] =	dma.local @!p0 [hbm:s0], s1  }
0xd9: {  	s0 =	simm.s32 @!p0 $0x3  }
0xda: {  	_ =	swait.ge @!p0 [sflag:s0], s1  }
0xdb: {  	s1 =	ssub.s32 @!p0 $0x0, s1;
	[sflag:s0] =	ssyncset.done @!p0 $0x0  }
0xdc: {  	[sflag:s0] =	ssyncadd.s32 @!p0 s1  }
0xdd: {  	[bflag:$0x3] =	sbarrier.arrive $0xFFFF  }
0xde: {  	_ =	shalt  }

// kernel: kernel.9.cloned.1.call-start
scs
__scs_entry_jumppad:
0x0: {  	(pc) =	sbr.rel $0x88, $3  }
0x1: {  	(tag) =	ssettag $0x0;
	lr =	simm.s32 $0x1  }
0x2: {  	[smem:$0x3F9C] =	sst lr;
	_ =	strace $0xD0000000  }
0x3: {  	_ = 	snop  }
0x4: {  	_ = 	snop  }
0x5: {  	_ = 	snop  }
0x6: {  	_ = 	snop  }
0x7: {  	_ = 	snop  }
__scs_overlays_trampoline_lowered:
0x8: {  	[smem:$0x3FAB] =	sst s0  }
0x9: {  	[smem:$0x3FAC] =	sst s1  }
0xa: {  	[smem:$0x3FAD] =	sst s2  }
0xb: {  	[smem:$0x3FAE] =	sst s3  }
0xc: {  	[smem:$0x3FAF] =	sst s4  }
0xd: {  	[smem:$0x3FB0] =	sst s5  }
0xe: {  	[smem:$0x3FB1] =	sst s6  }
0xf: {  	[smem:$0x3FB2] =	sst s7  }
0x10: {  	[smem:$0x3FB3] =	sst s8  }
0x11: {  	[smem:$0x3FB4] =	sst s9;
	s0 =	simm.s32 @!p0 $0x0  }
0x12: {  	s1 =	sld [smem:$0x3F9A];
	s0 =	simm.s32 @p0 $0x1  }
0x13: {  	[smem:$0x3FB5] =	sst s0;
	s0 =	simm.s32 @!p1 $0x0  }
0x14: {  	s2 =	sld [smem:$0x3F99];
	s0 =	simm.s32 @p1 $0x1  }
0x15: {  	[smem:$0x3FB6] =	sst s0;
	s0 =	simm.s32 @!p2 $0x0  }
0x16: {  	s3 =	sld [smem:$0x3FDB];
	s0 =	simm.s32 @p2 $0x1  }
0x17: {  	s4 =	simm.s32 $0x1BF5;
	[smem:$0x3FB8] =	sst s0  }
0x18: {  	s0 =	sld [smem:$0x3F9B];
	_ =	swait.ge [sflag:s4], $0x0  }
0x19: {  	s7 =	sld [smem:$0x3F9C]  }
0x1a: {  	s8 =	sadd.s32 $0xFFFFE003, lr  }
0x1b: {  	s9 =	sadd.s32 $0xFFFFFEF7, lr;
	s5 =	simm.s32 $0xFFFFFFFF;
	p2 =	slt.u32 s8, $0xFFFFF086  }
0x1c: {  	p1 =	slt.u32 s9, $0xF7A;
	s5 =	simm.s32 @!p2 $0x0  }
0x1d: {  	s5 =	simm.s32 @p1 $0x1;
	p0 =	seq.s32 s7, s2  }
0x1e: {  	s7 =	smul.u32 @!p0 $0xF7A, s2;
	p2 =	seq.s32 @!p0 s5, $0x0  }
0x1f: {  	s9 =	smul.u32 $0xF7A, s1;
	s8 =	simm.s32 @!p0 $0x1BF5;
	p2 =	por !p2, p0  }
0x20: {  	[sflag:s8] =	ssyncset.s32 @!p0 $0xFFFFF086;
	s6 =	sadd.s32 @!p0 s3, s7;
	s7 =	simm.s32 @!p0 $0x108  }
0x21: {  	s3 =	sadd.s32 s3, s9;
	s6 =	sadd.s32 @!p0 $0x88, s6;
	s7 =	simm.s32 @p2 $0x1082  }
0x22: {  	[simem:s7], [sflag:s8] =	dma.local @!p0 [hbm:s6], $0xF7A  }
0x23: {  	s9 =	sor.u32 $0xD0000000, s2;
	s6 =	simm.s32 $0x108;
	_ =	swait.ge @!p0 [sflag:s8], $0x0  }
0x24: {  	s3 =	sadd.s32 $0x88, s3;
	s6 =	simm.s32 @!p1 $0x1082;
	[sflag:s4] =	ssyncset.s32 $0xFFFFF086  }
0x25: {  	[simem:s6], [sflag:s4] =	dma.local [hbm:s3], $0xF7A  }
0x26: {  	[smem:$0x3F9C] =	sst s1;
	(tag) =	ssettag s2;
	_ =	strace s9  }
0x27: {  	s1 =	sld [smem:$0x3FAC]  }
0x28: {  	s2 =	sld [smem:$0x3FAD]  }
0x29: {  	s4 =	sld [smem:$0x3FAF]  }
0x2a: {  	p0 =	seq.s32 s5, $0x0;
	s5 =	sld [smem:$0x3FB0]  }
0x2b: {  	s6 =	sld [smem:$0x3FB1]  }
0x2c: {  	s7 =	sld [smem:$0x3FB2]  }
0x2d: {  	s3 =	simm.s32 $0x108;
	s8 =	sld [smem:$0x3FB3]  }
0x2e: {  	s3 =	simm.s32 @!p0 $0x1082;
	s9 =	sld [smem:$0x3FB4]  }
0x2f: {  	lr =	sadd.s32 s0, s3;
	s0 =	sld [smem:$0x3FAB]  }
0x30: {  	s3 =	sld [smem:$0x3FAE]  }
0x31: {  	[smem:$0x3FB7] =	sst s10  }
0x32: {  	s10 =	sld [smem:$0x3FB5];
	_ =	sdelay $0x3  }
0x33: {  	p0 =	seq.s32 s10, $0x1;
	s10 =	sld [smem:$0x3FB7];
	_ =	sdelay $0x3  }
0x34: {  	[smem:$0x3FB7] =	sst s10  }
0x35: {  	s10 =	sld [smem:$0x3FB6];
	_ =	sdelay $0x3  }
0x36: {  	p1 =	seq.s32 s10, $0x1;
	s10 =	sld [smem:$0x3FB7];
	_ =	sdelay $0x3  }
0x37: {  	[smem:$0x3FB7] =	sst s10  }
0x38: {  	s10 =	sld [smem:$0x3FB8]  }
0x39: {  	_ = 	snop;
	(pc) =	sbr.ind lr, $3  }
0x3a: {  	_ = 	snop  }
0x3b: {  	_ = 	snop  }
0x3c: {  	p2 =	seq.s32 s10, $0x1;
	s10 =	sld [smem:$0x3FB7]  }
0x3d: {  	_ =	shalt  }
0x3e: {  	_ =	shalt  }
0x3f: {  	_ =	shalt  }
0x40: {  	_ =	shalt  }
0x41: {  	_ =	shalt  }
0x42: {  	_ =	shalt  }
0x43: {  	_ =	shalt  }
0x44: {  	_ =	shalt  }
0x45: {  	_ =	shalt  }
0x46: {  	_ =	shalt  }
0x47: {  	_ =	shalt  }
0x48: {  	_ =	shalt  }
0x49: {  	_ =	shalt  }
0x4a: {  	_ =	shalt  }
0x4b: {  	_ =	shalt  }
0x4c: {  	_ =	shalt  }
0x4d: {  	_ =	shalt  }
0x4e: {  	_ =	shalt  }
0x4f: {  	_ =	shalt  }
0x50: {  	_ =	shalt  }
0x51: {  	_ =	shalt  }
0x52: {  	_ =	shalt  }
0x53: {  	_ =	shalt  }
0x54: {  	_ =	shalt  }
0x55: {  	_ =	shalt  }
0x56: {  	_ =	shalt  }
0x57: {  	_ =	shalt  }
0x58: {  	_ =	shalt  }
0x59: {  	_ =	shalt  }
0x5a: {  	_ =	shalt  }
0x5b: {  	_ =	shalt  }
0x5c: {  	_ =	shalt  }
0x5d: {  	_ =	shalt  }
0x5e: {  	_ =	shalt  }
0x5f: {  	_ =	shalt  }
0x60: {  	_ =	shalt  }
0x61: {  	_ =	shalt  }
0x62: {  	_ =	shalt  }
0x63: {  	_ =	shalt  }
0x64: {  	_ =	shalt  }
0x65: {  	_ =	shalt  }
0x66: {  	_ =	shalt  }
0x67: {  	_ =	shalt  }
0x68: {  	_ =	shalt  }
0x69: {  	_ =	shalt  }
0x6a: {  	_ =	shalt  }
0x6b: {  	_ =	shalt  }
0x6c: {  	_ =	shalt  }
0x6d: {  	_ =	shalt  }
0x6e: {  	_ =	shalt  }
0x6f: {  	_ =	shalt  }
0x70: {  	_ =	shalt  }
0x71: {  	_ =	shalt  }
0x72: {  	_ =	shalt  }
0x73: {  	_ =	shalt  }
0x74: {  	_ =	shalt  }
0x75: {  	_ =	shalt  }
0x76: {  	_ =	shalt  }
0x77: {  	_ =	shalt  }
0x78: {  	_ =	shalt  }
0x79: {  	_ =	shalt  }
0x7a: {  	_ =	shalt  }
0x7b: {  	_ =	shalt  }
0x7c: {  	_ =	shalt  }
0x7d: {  	_ =	shalt  }
0x7e: {  	_ =	shalt  }
0x7f: {  	_ =	shalt  }
0x80: {  	_ =	shalt  }
0x81: {  	_ =	shalt  }
0x82: {  	_ =	shalt  }
0x83: {  	_ =	shalt  }
0x84: {  	_ =	shalt  }
0x85: {  	_ =	shalt  }
0x86: {  	_ =	shalt  }
0x87: {  	_ =	shalt  }
.Lfunc_end0:
.L_simem_size_0:
called_computation.1_lowered:
.L_overlay_start_0:
0x88: {  	s2 =	sld [smem:$0x3FD9]  }
0x89: {  	s3 =	sld [smem:$0x3FFE];
	_ =	sdelay $0x1  }
0x8a: {  	s1 =	srdreg.scid  }
0x8b: {  	s0 =	sand.u32 $0x1, s1  }
0x8c: {  	s17 =	sshll.u32 s0, $0xA;
	s2 =	sadd.s32 s3, s2  }
0x8d: {  	s2 =	sadd.s32 s2, s17  }
0x8e: {  	[smem:$0x3FC3] =	sst s2  }
0x8f: {  	_ = 	snop  }
0x90: {  	s18 =	sld [smem:$0x3FC9]  }
0x91: {  	s4 =	sld [smem:$0x3FC7];
	(tm) =	ssettm $0x1  }
0x92: {  	s19 =	sld [smem:$0x3FFB];
	_ =	sdelay $0x3  }
0x93: {  	_ =	strace s19  }
0x94: {  	s2 =	sld [smem:$0x3FFC];
	_ =	sdelay $0x3  }
0x95: {  	_ =	strace s2  }
0x96: {  	s2 =	sld [smem:$0x3FFD];
	_ =	sdelay $0x3  }
0x97: {  	_ =	strace s2  }
0x98: {  	_ =	strace $0x8FFFFFFF  }
0x99: {  	s20 =	sld [smem:$0x3FDB];
	_ =	sdelay $0x1  }
0x9a: {  	s5 =	simm.s32 $_scs_section_size  }
0x9b: {  	s6 =	simm.s32 $_size__tile_overlayer_lowered;
	s7 =	simm.s32 $_tile_overlayer_lowered  }
0x9c: {  	s8 =	simm.s32 $0x1BFF;
	s21 =	sshll.u32 s7, $0x1;
	s5 =	sadd.s32 s5, s20  }
0x9d: {  	s22 =	simm.s32 $0x0;
	s6 =	sshll.u32 s6, $0x1;
	s7 =	sadd.s32 s21, s5  }
0x9e: {  	[timem:s22], [sflag:s8] =	dma.local [hbm:s7], s6  }
0x9f: {  	_ =	swait.ge [sflag:s8], s6  }
0xa0: {  	s6 =	ssub.s32 $0x0, s6;
	[sflag:s8] =	ssyncset.done $0x0  }
0xa1: {  	[sflag:s8] =	ssyncadd.s32 s6;
	_ =	sdelay $0x1  }
0xa2: {  	s23 =	simm.s32 $0x1B8B  }
0xa3: {  	_ =	swait.ge [sflag:s23], $0x1  }
0xa4: {  	[sflag:s23] =	ssyncset.done $0x0  }
0xa5: {  	[sflag:s23] =	ssyncadd.s32 $0xFFFFFFFF  }
0xa6: {  	s6 =	sld [smem:$0x0]  }
0xa7: {  	s7 =	sand.u32 $0xFFFFFFFE, s1  }
0xa8: {  	p0 =	sne.s32 s1, s7  }
0xa9: {  	s7 =	sshll.u32 @p0 s7, $0xE  }
0xaa: {  	s7 =	sadd.s32 @p0 $0x11B8D, s7;
	s8 =	sshll.u32 @p0 s6, $0x11  }
0xab: {  	s7 =	sor.u32 @p0 s8, s7  }
0xac: {  	[sflag:s7] =	ssyncadd.remote.s32 @p0 $0x1;
	_ =	sdelay $0x1  }
0xad: {  	s7 =	simm.s32 @p0 $0x1B8D  }
0xae: {  	_ =	swait.eq @p0 [sflag:s7], $0x1  }
0xaf: {  	[sflag:s7] =	ssyncadd.s32 @p0 $0xFFFFFFFF  }
0xb0: {  	s8 =	sshll.u32 @!p0 s1, $0xE  }
0xb1: {  	s8 =	sor.u32 @!p0 $0x4000, s8;
	s7 =	simm.s32 @!p0 $0x1B8D  }
0xb2: {  	s6 =	sshll.u32 @!p0 s6, $0x11;
	s8 =	sadd.s32 @!p0 $0x11B8D, s8;
	_ =	swait.eq @!p0 [sflag:s7], $0x1  }
0xb3: {  	s6 =	sor.u32 @!p0 s6, s8;
	[sflag:s7] =	ssyncadd.s32 @!p0 $0xFFFFFFFF  }
0xb4: {  	s25 =	simm.s32 $0x1B8E;
	s24 =	sld [smem:$0x3FFE];
	[sflag:s6] =	ssyncadd.remote.s32 @!p0 $0x1  }
0xb5: {  	s26 =	simm.s32 $execute0_lowered;
	[smem:$0x3FD2] =	sst s25  }
0xb6: {  	s7 =	sshll.u32 s26, $0x1;
	_ =	strace $0x80000049;
	[dreg:$0x1] =	wrdreg $0xFFFFFFFF  }
0xb7: {  	s28 =	simm.s32 $_size_execute0_lowered;
	s5 =	sadd.s32 s5, s7;
	[dreg:$0x0] =	wrdreg $0x0  }
0xb8: {  	s7 =	sshll.u32 s28, $0x1;
	[dreg:$0x2] =	wrdreg s5  }
0xb9: {  	[dreg:$0x3] =	wrdreg s7  }
0xba: {  	[dreg:$0x4] =	wrdreg $0xC0  }
0xbb: {  	_ =	task [dreg:s22], $0x5FFFF  }
0xbc: {  	[dreg:$0x1] =	wrdreg $0xFFFFFFFF  }
0xbd: {  	[dreg:$0x0] =	wrdreg $0x60  }
0xbe: {  	[dreg:$0x2] =	wrdreg s4  }
0xbf: {  	[dreg:$0x3] =	wrdreg s18  }
0xc0: {  	[dreg:$0x4] =	wrdreg s24  }
0xc1: {  	[dreg:$0x5] =	wrdreg $0xA  }
0xc2: {  	_ =	task.clear_ibuf [dreg:s22], $0x6FFFF;
	_ =	strace $0x90000049  }
0xc3: {  	s29 =	simm.s32 $0xA;
	_ =	strace $0x8000004B  }
0xc4: {  	_ =	swait.ge [sflag:s29], $0x1  }
0xc5: {  	[sflag:s29] =	ssyncadd.s32 $0xFFFFFFFF  }
0xc6: {  	_ =	strace $0x9000004B  }
0xc7: {  	_ =	sfence  }
0xc8: {  	s30 =	sld [smem:$0x0];
	_ =	sdelay $0x2  }
0xc9: {  	s31 =	sshll.u32 s1, $0xD;
	s1 =	sshrl.u32 s1, $0x2  }
0xca: {  	s4 =	sand.u32 $0x4000, s31;
	s1 =	sadd.s32 s1, s30  }
0xcb: {  	s0 =	sor.u32 s4, s0;
	s1 =	sshll.u32 s1, $0x11  }
0xcc: {  	s0 =	sor.u32 s1, s0  }
0xcd: {  	s0 =	sadd.s32 $0x8F2B, s0  }
0xce: {  	[sflag:s0] =	ssyncadd.remote.s32 $0x1  }
0xcf: {  	_ =	sfence.sel $0xFFFF  }
0xd0: {  	[dreg:$0x0] =	wrdreg $0xFFFFFFFF;
	(pc) =	sbr.abs _section_cstart, $3  }
0xd1: {  	[dreg:$0x1] =	wrdreg $0xFFFFFFFF  }
0xd2: {  	_ =	task.clear_ibuf [dreg:s22], $0x2FFFF;
	_ =	strace $0x9FFFFFFF  }
0xd3: {  	(tm) =	ssettm $0x7FFFFFFF  }
tec
execute0_lowered:
.L_overlay_start_1:
0x0: {  	(tag) =	ssettag $0x1  }
0x1: {  	s1 =	rddreg [dreg:$0x0]  }
0x2: {  	s4 =	rddreg [dreg:$0x1];
	s2 =	srdreg.scid  }
0x3: {  	s0 =	stileid.u32;
	s5 =	rddreg [dreg:$0x2];
	s3 =	simm.s32 $0x0  }
0x4: {  	s11 =	simm.s32 $0x80;
	s12 =	simm.s32 $0x880;
	s13 =	simm.s32 $0x1080  }
0x5: {  	s14 =	simm.s32 $0x1880;
	s15 =	simm.s32 $0x2080;
	s16 =	simm.s32 $0x2880  }
0x6: {  	s17 =	simm.s32 $0x3080;
	s18 =	simm.s32 $0x3880;
	s19 =	simm.s32 $0x4080  }
0x7: {  	s20 =	simm.s32 $0x4880;
	s21 =	simm.s32 $0x5080;
	s22 =	simm.s32 $0x5880  }
0x8: {  	s23 =	simm.s32 $0x6080;
	s24 =	simm.s32 $0x6880;
	s25 =	simm.s32 $0x7080  }
0x9: {  	s28 =	simm.s32 $0x1;
	s6 =	sand.u32 $0x1, s2;
	s7 =	sshll.u32 s0, $0x1  }
0xa: {  	s29 =	simm.s32 $0x2;
	s2 =	rddreg [dreg:$0x3];
	s7 =	sor.u32 s6, s7  }
0xb: {  	[smem:$0x7FF] =	sst s3;
	s10 =	sadd.s32 $0x51200, s5;
	s8 =	smul.u32 $0x60, s7  }
0xc: {  	s5 =	sadd.s32 $0x100, s1;
	s6 =	ssub.s32 $0x2, s6;
	s9 =	smul.u32 $0xC000, s7  }
0xd: {  	_ =	strace $0x8000004A;
	s26 =	sshrl.u32 s6, $0x1;
	s7 =	smul.u32 $0x1800, s7  }
0xe: {  	s31 =	ssub.s32 s6, s26;
	s26 =	simm.s32 $0x7880;
	s8 =	sshrl.u32 s8, $0x3  }
0xf: {  	v2 =	vlaneseq.u32;
	s30 =	sshrl.u32 s9, $0x3;
	s6 =	sadd.s32 s10, s7;
	s9 =	smax.u32 s31, $0x1  }
0x10: {  	vm0 =	vmmov $0xffff;
	v1 =	vshrl.u32 v2, $0x3;
	s4 =	sadd.s32 s4, s8;
	s8 =	sadd.s32 s10, s30;
	s10 =	simm.s32 $0x3  }
0x11: {  	v0 =	vand.u32 $0x7, v2;
	v2 =	vor.u32 $0x8, v2;
	v1 =	vmul.u32 $0x8, v1;
	s4 =	sadd.s32 $0x280, s4;
	s7 =	sadd.s32 $0x800, s8;
	s8 =	sadd.s32 $0x1000, s8  }
.LBB2_1:
0x12: {  	[tilespmem:s3], [sflag:$0x3] =	stream.linear.gather [hbm4b:s4+s3], $0x60, $0x38;
	[tilespmem:$0x8080] =	vst v63  }
0x13: {  	_ =	swait.ge [sflag:s10], $0x60  }
0x14: {  	[sflag:s10] =	ssyncset.done $0x0  }
0x15: {  	[sflag:s10] =	ssyncadd.s32 $0xFFFFFFA0  }
0x16: {  	v3 =	vld [tilespmem:$0x0];
	_ =	sdelay $0x4  }
0x17: {  	v4 =	vshll.u32 v3, $0x2  }
0x18: {  	v3 =	vand.u32 $0x7, v3;
	v4 =	vand.u32 $0xFFFFFFE0, v4  }
0x19: {  	v3 =	vor.u32 v3, v4  }
0x1a: {  	v4 =	vperm.xlane v3, v0;
	_ =	sdelay $0x1  }
0x1b: {  	v4 =	vadd.s32 v1, v4;
	_ =	sdelay $0x1  }
0x1c: {  	v3 =	vperm.xlane v3, v2;
	_ =	sdelay $0x1  }
0x1d: {  	v3 =	vadd.s32 v1, v3  }
0x1e: {  	[tilespmem:s11], [sflag:$0x1] =	stream.indirect_vreg.gather [hbm4b:s1+s3], $0x80, v4, vm0, $0xb8;
	[tilespmem:$0x8080] =	vst v63  }
0x1f: {  	_ = 	snop  }
0x20: {  	[tilespmem:s12], [sflag:$0x1] =	stream.indirect_vreg.gather [hbm4b:s5+s3], $0x80, v4, vm0, $0xb8;
	[tilespmem:$0x8080] =	vst v63  }
0x21: {  	_ = 	snop  }
0x22: {  	[tilespmem:s13], [sflag:$0x1] =	stream.indirect_vreg.gather [hbm4b:s1+s3], $0x80, v3, vm0, $0xb8;
	[tilespmem:$0x8080] =	vst v63  }
0x23: {  	_ = 	snop  }
0x24: {  	[tilespmem:s14], [sflag:$0x1] =	stream.indirect_vreg.gather [hbm4b:s5+s3], $0x80, v3, vm0, $0xb8;
	[tilespmem:$0x8080] =	vst v63  }
0x25: {  	v3 =	vld [tilespmem:$0x10];
	_ =	sdelay $0x4  }
0x26: {  	v59 =	vshll.u32 v3, $0x2  }
0x27: {  	v3 =	vand.u32 $0x7, v3;
	v4 =	vand.u32 $0xFFFFFFE0, v59  }
0x28: {  	v3 =	vor.u32 v3, v4  }
0x29: {  	v4 =	vperm.xlane v3, v0;
	_ =	sdelay $0x1  }
0x2a: {  	v4 =	vadd.s32 v1, v4;
	_ =	sdelay $0x1  }
0x2b: {  	v3 =	vperm.xlane v3, v2;
	_ =	sdelay $0x1  }
0x2c: {  	v3 =	vadd.s32 v1, v3  }
0x2d: {  	[tilespmem:s15], [sflag:$0x1] =	stream.indirect_vreg.gather [hbm4b:s1+s3], $0x80, v4, vm0, $0xb8;
	[tilespmem:$0x8080] =	vst v63  }
0x2e: {  	_ = 	snop  }
0x2f: {  	[tilespmem:s16], [sflag:$0x1] =	stream.indirect_vreg.gather [hbm4b:s5+s3], $0x80, v4, vm0, $0xb8;
	[tilespmem:$0x8080] =	vst v63  }
0x30: {  	_ = 	snop  }
0x31: {  	[tilespmem:s17], [sflag:$0x1] =	stream.indirect_vreg.gather [hbm4b:s1+s3], $0x80, v3, vm0, $0xb8;
	[tilespmem:$0x8080] =	vst v63  }
0x32: {  	_ = 	snop  }
0x33: {  	[tilespmem:s18], [sflag:$0x1] =	stream.indirect_vreg.gather [hbm4b:s5+s3], $0x80, v3, vm0, $0xb8;
	[tilespmem:$0x8080] =	vst v63  }
0x34: {  	v3 =	vld [tilespmem:$0x20];
	_ =	sdelay $0x4  }
0x35: {  	v60 =	vshll.u32 v3, $0x2  }
0x36: {  	v3 =	vand.u32 $0x7, v3;
	v4 =	vand.u32 $0xFFFFFFE0, v60  }
0x37: {  	v3 =	vor.u32 v3, v4  }
0x38: {  	v4 =	vperm.xlane v3, v0;
	_ =	sdelay $0x1  }
0x39: {  	v4 =	vadd.s32 v1, v4;
	_ =	sdelay $0x1  }
0x3a: {  	v3 =	vperm.xlane v3, v2;
	_ =	sdelay $0x1  }
0x3b: {  	v3 =	vadd.s32 v1, v3  }
0x3c: {  	[tilespmem:s19], [sflag:$0x2] =	stream.indirect_vreg.gather [hbm4b:s1+s3], $0x80, v4, vm0, $0xb8;
	[tilespmem:$0x8080] =	vst v63  }
0x3d: {  	_ = 	snop  }
0x3e: {  	[tilespmem:s20], [sflag:$0x2] =	stream.indirect_vreg.gather [hbm4b:s5+s3], $0x80, v4, vm0, $0xb8;
	[tilespmem:$0x8080] =	vst v63  }
0x3f: {  	_ = 	snop  }
0x40: {  	[tilespmem:s21], [sflag:$0x2] =	stream.indirect_vreg.gather [hbm4b:s1+s3], $0x80, v3, vm0, $0xb8;
	[tilespmem:$0x8080] =	vst v63  }
0x41: {  	_ = 	snop  }
0x42: {  	[tilespmem:s22], [sflag:$0x2] =	stream.indirect_vreg.gather [hbm4b:s5+s3], $0x80, v3, vm0, $0xb8;
	[tilespmem:$0x8080] =	vst v63  }
0x43: {  	v3 =	vld [tilespmem:$0x30];
	_ =	sdelay $0x4  }
0x44: {  	v61 =	vshll.u32 v3, $0x2  }
0x45: {  	v3 =	vand.u32 $0x7, v3;
	v4 =	vand.u32 $0xFFFFFFE0, v61  }
0x46: {  	v3 =	vor.u32 v3, v4  }
0x47: {  	v4 =	vperm.xlane v3, v0;
	_ =	sdelay $0x1  }
0x48: {  	v4 =	vadd.s32 v1, v4;
	_ =	sdelay $0x1  }
0x49: {  	v3 =	vperm.xlane v3, v2;
	_ =	sdelay $0x1  }
0x4a: {  	v3 =	vadd.s32 v1, v3  }
0x4b: {  	[tilespmem:s23], [sflag:$0x2] =	stream.indirect_vreg.gather [hbm4b:s1+s3], $0x80, v4, vm0, $0xb8;
	[tilespmem:$0x8080] =	vst v63  }
0x4c: {  	_ = 	snop  }
0x4d: {  	[tilespmem:s24], [sflag:$0x2] =	stream.indirect_vreg.gather [hbm4b:s5+s3], $0x80, v4, vm0, $0xb8;
	[tilespmem:$0x8080] =	vst v63  }
0x4e: {  	_ = 	snop  }
0x4f: {  	[tilespmem:s25], [sflag:$0x2] =	stream.indirect_vreg.gather [hbm4b:s1+s3], $0x80, v3, vm0, $0xb8;
	[tilespmem:$0x8080] =	vst v63  }
0x50: {  	_ = 	snop  }
0x51: {  	[tilespmem:s26], [sflag:$0x2] =	stream.indirect_vreg.gather [hbm4b:s5+s3], $0x80, v3, vm0, $0xb8;
	[tilespmem:$0x8080] =	vst v63  }
0x52: {  	_ =	swait.ge [sflag:s28], $0x4000  }
0x53: {  	[sflag:s28] =	ssyncset.done $0x0  }
0x54: {  	[sflag:s28] =	ssyncadd.s32 $0xFFFFC000  }
0x55: {  	[hbm4b:s6+s3] =	stream.linear.scatter [tilespmem:s11], [sflag:$0x3], $0x4000, $0x38;
	[tilespmem:$0x8080] =	vst v63  }
0x56: {  	_ =	swait.ge [sflag:s10], $0x4000  }
0x57: {  	[sflag:s10] =	ssyncset.done $0x0  }
0x58: {  	[sflag:s10] =	ssyncadd.s32 $0xFFFFC000  }
0x59: {  	v3 =	vld [tilespmem:$0x40];
	_ =	sdelay $0x4  }
0x5a: {  	v62 =	vshll.u32 v3, $0x2  }
0x5b: {  	v3 =	vand.u32 $0x7, v3;
	v4 =	vand.u32 $0xFFFFFFE0, v62  }
0x5c: {  	v3 =	vor.u32 v3, v4  }
0x5d: {  	v4 =	vperm.xlane v3, v0;
	_ =	sdelay $0x1  }
0x5e: {  	v4 =	vadd.s32 v1, v4;
	_ =	sdelay $0x1  }
0x5f: {  	v3 =	vperm.xlane v3, v2;
	_ =	sdelay $0x1  }
0x60: {  	v3 =	vadd.s32 v1, v3  }
0x61: {  	[tilespmem:s11], [sflag:$0x1] =	stream.indirect_vreg.gather [hbm4b:s1+s3], $0x80, v4, vm0, $0xb8;
	[tilespmem:$0x8080] =	vst v63  }
0x62: {  	_ = 	snop  }
0x63: {  	[tilespmem:s12], [sflag:$0x1] =	stream.indirect_vreg.gather [hbm4b:s5+s3], $0x80, v4, vm0, $0xb8;
	[tilespmem:$0x8080] =	vst v63  }
0x64: {  	_ = 	snop  }
0x65: {  	[tilespmem:s13], [sflag:$0x1] =	stream.indirect_vreg.gather [hbm4b:s1+s3], $0x80, v3, vm0, $0xb8;
	[tilespmem:$0x8080] =	vst v63  }
0x66: {  	_ = 	snop  }
0x67: {  	[tilespmem:s14], [sflag:$0x1] =	stream.indirect_vreg.gather [hbm4b:s5+s3], $0x80, v3, vm0, $0xb8;
	[tilespmem:$0x8080] =	vst v63  }
0x68: {  	v3 =	vld [tilespmem:$0x50];
	_ =	sdelay $0x4  }
0x69: {  	v63 =	vshll.u32 v3, $0x2  }
0x6a: {  	v3 =	vand.u32 $0x7, v3;
	v4 =	vand.u32 $0xFFFFFFE0, v63  }
0x6b: {  	v3 =	vor.u32 v3, v4  }
0x6c: {  	v4 =	vperm.xlane v3, v0;
	_ =	sdelay $0x1  }
0x6d: {  	v4 =	vadd.s32 v1, v4;
	_ =	sdelay $0x1  }
0x6e: {  	v3 =	vperm.xlane v3, v2;
	_ =	sdelay $0x1  }
0x6f: {  	v3 =	vadd.s32 v1, v3  }
0x70: {  	[tilespmem:s15], [sflag:$0x1] =	stream.indirect_vreg.gather [hbm4b:s1+s3], $0x80, v4, vm0, $0xb8;
	[tilespmem:$0x8080] =	vst v63  }
0x71: {  	_ = 	snop  }
0x72: {  	[tilespmem:s16], [sflag:$0x1] =	stream.indirect_vreg.gather [hbm4b:s5+s3], $0x80, v4, vm0, $0xb8;
	[tilespmem:$0x8080] =	vst v63  }
0x73: {  	_ = 	snop  }
0x74: {  	[tilespmem:s17], [sflag:$0x1] =	stream.indirect_vreg.gather [hbm4b:s1+s3], $0x80, v3, vm0, $0xb8;
	[tilespmem:$0x8080] =	vst v63  }
0x75: {  	_ = 	snop  }
0x76: {  	[tilespmem:s18], [sflag:$0x1] =	stream.indirect_vreg.gather [hbm4b:s5+s3], $0x80, v3, vm0, $0xb8;
	[tilespmem:$0x8080] =	vst v63  }
0x77: {  	_ =	swait.ge [sflag:s29], $0x4000  }
0x78: {  	[sflag:s29] =	ssyncset.done $0x0  }
0x79: {  	[sflag:s29] =	ssyncadd.s32 $0xFFFFC000  }
0x7a: {  	[hbm4b:s7+s3] =	stream.linear.scatter [tilespmem:s19], [sflag:$0x3], $0x4000, $0x38;
	[tilespmem:$0x8080] =	vst v63  }
0x7b: {  	_ =	swait.ge [sflag:s10], $0x4000  }
0x7c: {  	[sflag:s10] =	ssyncset.done $0x0  }
0x7d: {  	[sflag:s10] =	ssyncadd.s32 $0xFFFFC000  }
0x7e: {  	_ =	swait.ge [sflag:s28], $0x4000  }
0x7f: {  	p0 =	sne.s32 s9, $0x1;
	[sflag:s28] =	ssyncset.done $0x0  }
.Ltmp0:
0x80: {  	[sflag:s28] =	ssyncadd.s32 $0xFFFFC000;
	(pc) =	sbr.rel @p0 .LBB2_1-.Ltmp0, $4  }
0x81: {  	[hbm4b:s8+s3] =	stream.linear.scatter [tilespmem:s11], [sflag:$0x3], $0x4000, $0x38;
	[tilespmem:$0x8080] =	vst v63  }
0x82: {  	_ =	swait.ge [sflag:s10], $0x4000  }
0x83: {  	[sflag:s10] =	ssyncset.done $0x0  }
0x84: {  	s9 =	sadd.s32 $0xFFFFFFFF, s9;
	[sflag:s10] =	ssyncadd.s32 $0xFFFFC000  }
0x85: {  	_ =	sfence.sel $0x180000  }
0x86: {  	[bflag:$0x0] =	sbarrier.arrive $0xFFFF  }
0x87: {  	p0 =	sne.s32 s0, $0x0;
	_ =	strace $0x9000004A  }
0x88: {  	s0 =	sadd.s32 @!p0 $0x100000, s2;
	[bflag:$0x2] =	sbarrier.arrive $0xFFFF  }
0x89: {  	[sflag:s0] =	ssyncadd.tile.s32 @!p0 $0x1;
	_ =	shalt  }
.Lfunc_end2:
_tile_overlayer_lowered:
.L_overlay_start_2:
0x8a: {  	(tag) =	ssettag $0x2  }
0x8b: {  	s0 =	rddreg [dreg:$0x0];
	s2 =	stileid.u32  }
0x8c: {  	s1 =	rddreg [dreg:$0x1];
	p0 =	sne.s32 s2, $0x0  }
0x8d: {  	s3 =	rddreg [dreg:$0x2];
	[bflag:$0x3] =	sbarrier.arrive $0xFFFF;
	s2 =	simm.s32 @!p0 $0x1C03  }
0x8e: {  	[timem:s3], [sflag:s2] =	dma.local @!p0 [hbm:s0], s1  }
0x8f: {  	s0 =	simm.s32 @!p0 $0x3  }
0x90: {  	_ =	swait.ge @!p0 [sflag:s0], s1  }
0x91: {  	s1 =	ssub.s32 @!p0 $0x0, s1;
	[sflag:s0] =	ssyncset.done @!p0 $0x0  }
0x92: {  	[sflag:s0] =	ssyncadd.s32 @!p0 s1  }
0x93: {  	[bflag:$0x3] =	sbarrier.arrive $0xFFFF  }
0x94: {  	_ =	shalt  }

</sc_bundles>
